<compile_context>
chip_gen: v7x
topology: tpu7x:2x2x1
jax: 0.10.2.dev20260603
libtpu: 0.0.44.dev20260713+nightly
codegen_flags: <defaults>
</compile_context>

<pallas_src>
import functools

import jax
import jax.numpy as jnp
from jax import lax
from jax.experimental import pallas as pl
from jax.experimental.pallas import tpu as pltpu
from jax.experimental.pallas import tpu_sc as plsc

NUM_EMBED = 100000
EMBED_DIM = 128
COL_DIM = 32
BATCH = 16384

_info = plsc.get_sparse_core_info()
_NC, _NS, _L = _info.num_cores, _info.num_subcores, _info.num_lanes
_NW = _NC * _NS
_B_PER_W = BATCH // _NW
_NCH = 4
_CH = _B_PER_W // _NCH
_UNROLL = 8
_AHEAD = 3


def _make_kernel():
    mesh = plsc.VectorSubcoreMesh(core_axis_name="c", subcore_axis_name="s")

    @functools.partial(
        pl.kernel,
        mesh=mesh,
        out_type=jax.ShapeDtypeStruct((BATCH, EMBED_DIM), jnp.float32),
        scratch_types=[
            pltpu.VMEM((_B_PER_W,), jnp.int32),
            pltpu.VMEM((_B_PER_W, EMBED_DIM), jnp.float32),
            pltpu.VMEM((COL_DIM,), jnp.float32),
        ]
        + [pltpu.SemaphoreType.DMA] * (_NCH + 2),
    )
    def k(x_hbm, table_hbm, se_hbm, out_hbm, idx_v, rows_v, se_v, *sems):
        gsems, wsem, ssem = sems[:_NCH], sems[_NCH], sems[_NCH + 1]
        wid = lax.axis_index("s") * _NC + lax.axis_index("c")
        base = wid * _B_PER_W
        se_copy = pltpu.async_copy(se_hbm, se_v, ssem)
        pltpu.sync_copy(x_hbm.at[pl.ds(base, _CH)], idx_v.at[pl.ds(0, _CH)])

        def issue_gather(c):
            return pltpu.async_copy(
                table_hbm.at[idx_v.at[pl.ds(c * _CH, _CH)]],
                rows_v.at[pl.ds(c * _CH, _CH)],
                gsems[c],
            )

        gathers = [issue_gather(0)]
        pltpu.sync_copy(
            x_hbm.at[pl.ds(base + _CH, _B_PER_W - _CH)],
            idx_v.at[pl.ds(_CH, _B_PER_W - _CH)],
        )
        gathers += [issue_gather(c) for c in range(1, _AHEAD)]
        se_copy.wait()
        se_lo = se_v[pl.ds(0, _L)]
        se_hi = se_v[pl.ds(_L, _L)]

        writes = []
        for c in range(_NCH):
            gathers[c].wait()

            def overwrite(i, carry, c=c):
                r = c * _CH + i * _UNROLL
                for j in range(_UNROLL):
                    rows_v[r + j, pl.ds(0, _L)] = se_lo
                    rows_v[r + j, pl.ds(_L, _L)] = se_hi
                return carry

            lax.fori_loop(0, _CH // _UNROLL, overwrite, 0)
            writes.append(
                pltpu.async_copy(
                    rows_v.at[pl.ds(c * _CH, _CH)],
                    out_hbm.at[pl.ds(base + c * _CH, _CH)],
                    wsem,
                )
            )
            if c + _AHEAD < _NCH:
                gathers.append(issue_gather(c + _AHEAD))
        for w in writes:
            w.wait()

    return k


_sc_kernel = _make_kernel()


def kernel(X, embed_weight, shared_embed):
    idx = X.astype(jnp.int32)
    se = shared_embed.reshape((COL_DIM,))
    return _sc_kernel(idx, embed_weight, se)

# --- scband reference (transcript-rebuilt; emitter-appended) ---
"""Pipeline reference for scband-shared-embeddings-1675037245857 (READ-ONLY COPY).

The authoritative reference and input builder live on the scoring server;
editing this copy changes nothing except your own understanding.
"""

import jax, jax.numpy as jnp
import numpy as np

NUM_EMBED = 100000
EMBED_DIM = 128
FRAC_SHARED = 0.25
COL_EMBED_DIM = int(EMBED_DIM * FRAC_SHARED)  # 32 (add_shared_embed=False)
BATCH = 16384


def setup_inputs(seed: int = 0) -> dict:
    key = jax.random.key(seed)
    k1, k2, k3 = jax.random.split(key, 3)
    X = jax.random.randint(k1, (BATCH,), 0, NUM_EMBED, dtype=jnp.int64)
    # nn.Embedding default init ~ N(0,1), then clamped to [-2, 2]; padding_idx=0 row is zero
    embed_weight = jax.random.normal(k2, (NUM_EMBED, EMBED_DIM), dtype=jnp.float32)
    embed_weight = jnp.clip(embed_weight, -2.0, 2.0)
    embed_weight = embed_weight.at[0].set(0.0)  # padding_idx=0
    shared_embed = jax.random.uniform(k3, (1, COL_EMBED_DIM), dtype=jnp.float32, minval=-1.0, maxval=1.0)
    return {"X": X, "embed_weight": embed_weight, "shared_embed": shared_embed}


def reference(X, embed_weight, shared_embed):
    # out = self.embed(X)
    out = jnp.take(embed_weight, X, axis=0)  # [B, embed_dim]
    # shared_embed expanded across batch
    se = jnp.broadcast_to(shared_embed, (out.shape[0], shared_embed.shape[1]))
    # add_shared_embed=False -> overwrite first col_embed_dim columns
    out = out.at[:, : shared_embed.shape[1]].set(se)
    return out

if __name__ == "__main__":
    import jax
    _d = setup_inputs()
    print(jax.jit(kernel)(*tuple(_d.values())))

</pallas_src>

<mosaic_0001>
#map = affine_map<(d0, d1) -> (0)>
#map1 = affine_map<(d0, d1) -> (0, 0)>
module attributes {stable_mosaic.version = 14 : i64} {
  func.func @k(%arg0: i32, %arg1: i32, %arg2: memref<16384xi32, #tpu.memory_space<hbm>>, %arg3: memref<100000x128xf32, #tpu.memory_space<hbm>>, %arg4: memref<32xf32, #tpu.memory_space<hbm>>, %arg5: memref<16384x128xf32, #tpu.memory_space<hbm>>, %arg6: memref<512xi32, #tpu.memory_space<vmem>>, %arg7: memref<512x128xf32, #tpu.memory_space<vmem>>, %arg8: memref<32xf32, #tpu.memory_space<vmem>>, %arg9: memref<!tpu.dma_semaphore, #tpu.memory_space<semaphore_mem>>, %arg10: memref<!tpu.dma_semaphore, #tpu.memory_space<semaphore_mem>>, %arg11: memref<!tpu.dma_semaphore, #tpu.memory_space<semaphore_mem>>, %arg12: memref<!tpu.dma_semaphore, #tpu.memory_space<semaphore_mem>>, %arg13: memref<!tpu.dma_semaphore, #tpu.memory_space<semaphore_mem>>, %arg14: memref<!tpu.dma_semaphore, #tpu.memory_space<semaphore_mem>>) attributes {dimension_semantics = [#tpu.dimension_semantics<core_parallel>, #tpu.dimension_semantics<subcore_parallel>], iteration_bounds = array<i64: 2, 16>, scalar_prefetch = 0 : i64, scratch_operands = 9 : i64, tpu.core_type = #tpu.core_type<sc_vector_subcore>, window_params = [{transform_indices = #map}, {transform_indices = #map1}, {transform_indices = #map}, {transform_indices = #map1}]} {
    %mul3A = arith.constant 2 : i32
    %mul3A_0 = arith.muli %arg1, %mul3A : i32
    %add3A = arith.addi %mul3A_0, %arg0 : i32
    %mul3A_1 = arith.constant 512 : i32
    %mul3A_2 = arith.muli %add3A, %mul3A_1 : i32
    tpu.enqueue_dma source(%arg4 : memref<32xf32, #tpu.memory_space<hbm>>) target(%arg8 : memref<32xf32, #tpu.memory_space<vmem>>) target_semaphore(%arg14 : memref<!tpu.dma_semaphore, #tpu.memory_space<semaphore_mem>>)
    "tpu.region"() ({
      %run_scoped3A = tpu.sem_alloc : memref<!tpu.dma_semaphore, #tpu.memory_space<semaphore_mem>>
      %dma_start3A_183 = arith.constant 0 : i32
      %dma_start3A_184 = tpu.memref_slice %arg6[%dma_start3A_183] : memref<512xi32, #tpu.memory_space<vmem>> -> memref<128xi32, #tpu.memory_space<vmem>>
      %dma_start3A_185 = tpu.memref_slice %arg2[%mul3A_2] : memref<16384xi32, #tpu.memory_space<hbm>> -> memref<128xi32, #tpu.memory_space<hbm>>
      %dma_start3A_186 = arith.constant 0 : i32
      %dma_start3A_187 = tpu.memref_slice %arg6[%dma_start3A_186] : memref<512xi32, #tpu.memory_space<vmem>> -> memref<128xi32, #tpu.memory_space<vmem>>
      %dma_start3A_188 = tpu.memref_slice %arg2[%mul3A_2] : memref<16384xi32, #tpu.memory_space<hbm>> -> memref<128xi32, #tpu.memory_space<hbm>>
      tpu.enqueue_dma source(%dma_start3A_188 : memref<128xi32, #tpu.memory_space<hbm>>) target(%dma_start3A_187 : memref<128xi32, #tpu.memory_space<vmem>>) target_semaphore(%run_scoped3A : memref<!tpu.dma_semaphore, #tpu.memory_space<semaphore_mem>>)
      %dma_wait3A_189 = arith.constant 0 : i32
      %dma_wait3A_190 = tpu.memref_slice %arg6[%dma_wait3A_189] : memref<512xi32, #tpu.memory_space<vmem>> -> memref<128xi32, #tpu.memory_space<vmem>>
      %dma_wait3A_191 = tpu.memref_slice %arg2[%mul3A_2] : memref<16384xi32, #tpu.memory_space<hbm>> -> memref<128xi32, #tpu.memory_space<hbm>>
      %dma_wait3A_192 = arith.constant 0 : i32
      %dma_wait3A_193 = tpu.memref_slice %arg6[%dma_wait3A_192] : memref<512xi32, #tpu.memory_space<vmem>> -> memref<128xi32, #tpu.memory_space<vmem>>
      %dma_wait3A_194 = tpu.memref_slice %arg2[%mul3A_2] : memref<16384xi32, #tpu.memory_space<hbm>> -> memref<128xi32, #tpu.memory_space<hbm>>
      tpu.wait_dma2 semaphore(%run_scoped3A : memref<!tpu.dma_semaphore, #tpu.memory_space<semaphore_mem>>) src(%dma_wait3A_194 : memref<128xi32, #tpu.memory_space<hbm>>) dst(%dma_wait3A_193 : memref<128xi32, #tpu.memory_space<vmem>>)
      tpu.yield
    }) : () -> ()
    %dma_start3A = arith.constant 0 : i32
    %dma_start3A_3 = arith.constant 0 : i32
    %dma_start3A_4 = tpu.memref_slice %arg7[%dma_start3A, %dma_start3A_3] : memref<512x128xf32, #tpu.memory_space<vmem>> -> memref<128x128xf32, #tpu.memory_space<vmem>>
    %dma_start3A_5 = arith.constant 0 : i32
    %dma_start3A_6 = tpu.memref_slice %arg6[%dma_start3A_5] : memref<512xi32, #tpu.memory_space<vmem>> -> memref<128xi32, #tpu.memory_space<vmem>>
    %dma_start3A_7 = arith.constant 0 : i32
    %dma_start3A_8 = arith.constant 0 : i32
    %dma_start3A_9 = tpu.memref_slice %arg3[%dma_start3A_7, %dma_start3A_8] : memref<100000x128xf32, #tpu.memory_space<hbm>> -> memref<100000x128xf32, #tpu.memory_space<hbm>>
    tpu.enqueue_indirect_dma source(%dma_start3A_9 : memref<100000x128xf32, #tpu.memory_space<hbm>>) target(%dma_start3A_4 : memref<128x128xf32, #tpu.memory_space<vmem>>) offsets(%dma_start3A_6 : memref<128xi32, #tpu.memory_space<vmem>>) semaphore(%arg9 : memref<!tpu.dma_semaphore, #tpu.memory_space<semaphore_mem>>)
    %add3A_10 = arith.constant 128 : i32
    %add3A_11 = arith.addi %mul3A_2, %add3A_10 : i32
    "tpu.region"() ({
      %run_scoped3A = tpu.sem_alloc : memref<!tpu.dma_semaphore, #tpu.memory_space<semaphore_mem>>
      %dma_start3A_183 = arith.constant 128 : i32
      %dma_start3A_184 = tpu.memref_slice %arg6[%dma_start3A_183] : memref<512xi32, #tpu.memory_space<vmem>> -> memref<384xi32, #tpu.memory_space<vmem>>
      %dma_start3A_185 = tpu.memref_slice %arg2[%add3A_11] : memref<16384xi32, #tpu.memory_space<hbm>> -> memref<384xi32, #tpu.memory_space<hbm>>
      %dma_start3A_186 = arith.constant 128 : i32
      %dma_start3A_187 = tpu.memref_slice %arg6[%dma_start3A_186] : memref<512xi32, #tpu.memory_space<vmem>> -> memref<384xi32, #tpu.memory_space<vmem>>
      %dma_start3A_188 = tpu.memref_slice %arg2[%add3A_11] : memref<16384xi32, #tpu.memory_space<hbm>> -> memref<384xi32, #tpu.memory_space<hbm>>
      tpu.enqueue_dma source(%dma_start3A_188 : memref<384xi32, #tpu.memory_space<hbm>>) target(%dma_start3A_187 : memref<384xi32, #tpu.memory_space<vmem>>) target_semaphore(%run_scoped3A : memref<!tpu.dma_semaphore, #tpu.memory_space<semaphore_mem>>)
      %dma_wait3A_189 = arith.constant 128 : i32
      %dma_wait3A_190 = tpu.memref_slice %arg6[%dma_wait3A_189] : memref<512xi32, #tpu.memory_space<vmem>> -> memref<384xi32, #tpu.memory_space<vmem>>
      %dma_wait3A_191 = tpu.memref_slice %arg2[%add3A_11] : memref<16384xi32, #tpu.memory_space<hbm>> -> memref<384xi32, #tpu.memory_space<hbm>>
      %dma_wait3A_192 = arith.constant 128 : i32
      %dma_wait3A_193 = tpu.memref_slice %arg6[%dma_wait3A_192] : memref<512xi32, #tpu.memory_space<vmem>> -> memref<384xi32, #tpu.memory_space<vmem>>
      %dma_wait3A_194 = tpu.memref_slice %arg2[%add3A_11] : memref<16384xi32, #tpu.memory_space<hbm>> -> memref<384xi32, #tpu.memory_space<hbm>>
      tpu.wait_dma2 semaphore(%run_scoped3A : memref<!tpu.dma_semaphore, #tpu.memory_space<semaphore_mem>>) src(%dma_wait3A_194 : memref<384xi32, #tpu.memory_space<hbm>>) dst(%dma_wait3A_193 : memref<384xi32, #tpu.memory_space<vmem>>)
      tpu.yield
    }) : () -> ()
    %dma_start3A_12 = arith.constant 128 : i32
    %dma_start3A_13 = arith.constant 0 : i32
    %dma_start3A_14 = tpu.memref_slice %arg7[%dma_start3A_12, %dma_start3A_13] : memref<512x128xf32, #tpu.memory_space<vmem>> -> memref<128x128xf32, #tpu.memory_space<vmem>>
    %dma_start3A_15 = arith.constant 128 : i32
    %dma_start3A_16 = tpu.memref_slice %arg6[%dma_start3A_15] : memref<512xi32, #tpu.memory_space<vmem>> -> memref<128xi32, #tpu.memory_space<vmem>>
    %dma_start3A_17 = arith.constant 0 : i32
    %dma_start3A_18 = arith.constant 0 : i32
    %dma_start3A_19 = tpu.memref_slice %arg3[%dma_start3A_17, %dma_start3A_18] : memref<100000x128xf32, #tpu.memory_space<hbm>> -> memref<100000x128xf32, #tpu.memory_space<hbm>>
    tpu.enqueue_indirect_dma source(%dma_start3A_19 : memref<100000x128xf32, #tpu.memory_space<hbm>>) target(%dma_start3A_14 : memref<128x128xf32, #tpu.memory_space<vmem>>) offsets(%dma_start3A_16 : memref<128xi32, #tpu.memory_space<vmem>>) semaphore(%arg10 : memref<!tpu.dma_semaphore, #tpu.memory_space<semaphore_mem>>)
    %dma_start3A_20 = arith.constant 256 : i32
    %dma_start3A_21 = arith.constant 0 : i32
    %dma_start3A_22 = tpu.memref_slice %arg7[%dma_start3A_20, %dma_start3A_21] : memref<512x128xf32, #tpu.memory_space<vmem>> -> memref<128x128xf32, #tpu.memory_space<vmem>>
    %dma_start3A_23 = arith.constant 256 : i32
    %dma_start3A_24 = tpu.memref_slice %arg6[%dma_start3A_23] : memref<512xi32, #tpu.memory_space<vmem>> -> memref<128xi32, #tpu.memory_space<vmem>>
    %dma_start3A_25 = arith.constant 0 : i32
    %dma_start3A_26 = arith.constant 0 : i32
    %dma_start3A_27 = tpu.memref_slice %arg3[%dma_start3A_25, %dma_start3A_26] : memref<100000x128xf32, #tpu.memory_space<hbm>> -> memref<100000x128xf32, #tpu.memory_space<hbm>>
    tpu.enqueue_indirect_dma source(%dma_start3A_27 : memref<100000x128xf32, #tpu.memory_space<hbm>>) target(%dma_start3A_22 : memref<128x128xf32, #tpu.memory_space<vmem>>) offsets(%dma_start3A_24 : memref<128xi32, #tpu.memory_space<vmem>>) semaphore(%arg11 : memref<!tpu.dma_semaphore, #tpu.memory_space<semaphore_mem>>)
    tpu.wait_dma2 semaphore(%arg14 : memref<!tpu.dma_semaphore, #tpu.memory_space<semaphore_mem>>) src(%arg4 : memref<32xf32, #tpu.memory_space<hbm>>) dst(%arg8 : memref<32xf32, #tpu.memory_space<vmem>>)
    %get3A = arith.constant 0 : index
    %get3A_28 = tpu.vector_load %arg8[%get3A] {strides = array<i32>} : memref<32xf32, #tpu.memory_space<vmem>>, vector<16xf32>,
    %get3A_29 = vector.shape_cast %get3A_28 : vector<16xf32> to vector<16xf32>
    %get3A_30 = arith.constant 16 : index
    %get3A_31 = tpu.vector_load %arg8[%get3A_30] {strides = array<i32>} : memref<32xf32, #tpu.memory_space<vmem>>, vector<16xf32>,
    %get3A_32 = vector.shape_cast %get3A_31 : vector<16xf32> to vector<16xf32>
    %dma_wait3A = arith.constant 0 : i32
    %dma_wait3A_33 = arith.constant 0 : i32
    %dma_wait3A_34 = tpu.memref_slice %arg7[%dma_wait3A, %dma_wait3A_33] : memref<512x128xf32, #tpu.memory_space<vmem>> -> memref<128x128xf32, #tpu.memory_space<vmem>>
    %dma_wait3A_35 = arith.constant 0 : i32
    %dma_wait3A_36 = tpu.memref_slice %arg6[%dma_wait3A_35] : memref<512xi32, #tpu.memory_space<vmem>> -> memref<128xi32, #tpu.memory_space<vmem>>
    %dma_wait3A_37 = arith.constant 0 : i32
    %dma_wait3A_38 = arith.constant 0 : i32
    %dma_wait3A_39 = tpu.memref_slice %arg3[%dma_wait3A_37, %dma_wait3A_38] : memref<100000x128xf32, #tpu.memory_space<hbm>> -> memref<100000x128xf32, #tpu.memory_space<hbm>>
    tpu.wait_indirect_dma semaphore(%arg9 : memref<!tpu.dma_semaphore, #tpu.memory_space<semaphore_mem>>) src(%dma_wait3A_39 : memref<100000x128xf32, #tpu.memory_space<hbm>>) dst(%dma_wait3A_34 : memref<128x128xf32, #tpu.memory_space<vmem>>)
    %scan3A = arith.constant 0 : i32
    %scan3A_40 = arith.constant 0 : i32
    %scan3A_41 = arith.constant 16 : i32
    %scan3A_42 = arith.addi %scan3A_40, %scan3A_41 : i32
    %scan3A_43 = arith.constant 1 : i32
    scf.for %scan3A_183 = %scan3A_40 to %scan3A_42 step %scan3A_43  : i32 {
      %mul3A_184 = arith.constant 8 : i32
      %mul3A_185 = arith.muli %scan3A_183, %mul3A_184 : i32
      %add3A_186 = arith.constant 0 : i32
      %add3A_187 = arith.addi %add3A_186, %mul3A_185 : i32
      %add3A_188 = arith.constant 0 : i32
      %add3A_189 = arith.addi %add3A_187, %add3A_188 : i32
      %swap3A = arith.index_cast %add3A_189 : i32 to index
      %swap3A_190 = arith.constant 0 : index
      %swap3A_191 = tpu.vector_load %arg7[%swap3A, %swap3A_190] {strides = array<i32>} : memref<512x128xf32, #tpu.memory_space<vmem>>, vector<1x16xf32>,
      %swap3A_192 = vector.shape_cast %swap3A_191 : vector<1x16xf32> to vector<16xf32>
      %swap3A_193 = vector.shape_cast %get3A_29 : vector<16xf32> to vector<1x16xf32>
      tpu.vector_store %arg7[%swap3A, %swap3A_190], %swap3A_193 {strides = array<i32>} : memref<512x128xf32, #tpu.memory_space<vmem>>, vector<1x16xf32>,
      %add3A_194 = arith.constant 0 : i32
      %add3A_195 = arith.addi %add3A_187, %add3A_194 : i32
      %swap3A_196 = arith.index_cast %add3A_195 : i32 to index
      %swap3A_197 = arith.constant 16 : index
      %swap3A_198 = tpu.vector_load %arg7[%swap3A_196, %swap3A_197] {strides = array<i32>} : memref<512x128xf32, #tpu.memory_space<vmem>>, vector<1x16xf32>,
      %swap3A_199 = vector.shape_cast %swap3A_198 : vector<1x16xf32> to vector<16xf32>
      %swap3A_200 = vector.shape_cast %get3A_32 : vector<16xf32> to vector<1x16xf32>
      tpu.vector_store %arg7[%swap3A_196, %swap3A_197], %swap3A_200 {strides = array<i32>} : memref<512x128xf32, #tpu.memory_space<vmem>>, vector<1x16xf32>,
      %add3A_201 = arith.constant 1 : i32
      %add3A_202 = arith.addi %add3A_187, %add3A_201 : i32
      %swap3A_203 = arith.index_cast %add3A_202 : i32 to index
      %swap3A_204 = arith.constant 0 : index
      %swap3A_205 = tpu.vector_load %arg7[%swap3A_203, %swap3A_204] {strides = array<i32>} : memref<512x128xf32, #tpu.memory_space<vmem>>, vector<1x16xf32>,
      %swap3A_206 = vector.shape_cast %swap3A_205 : vector<1x16xf32> to vector<16xf32>
      %swap3A_207 = vector.shape_cast %get3A_29 : vector<16xf32> to vector<1x16xf32>
      tpu.vector_store %arg7[%swap3A_203, %swap3A_204], %swap3A_207 {strides = array<i32>} : memref<512x128xf32, #tpu.memory_space<vmem>>, vector<1x16xf32>,
      %add3A_208 = arith.constant 1 : i32
      %add3A_209 = arith.addi %add3A_187, %add3A_208 : i32
      %swap3A_210 = arith.index_cast %add3A_209 : i32 to index
      %swap3A_211 = arith.constant 16 : index
      %swap3A_212 = tpu.vector_load %arg7[%swap3A_210, %swap3A_211] {strides = array<i32>} : memref<512x128xf32, #tpu.memory_space<vmem>>, vector<1x16xf32>,
      %swap3A_213 = vector.shape_cast %swap3A_212 : vector<1x16xf32> to vector<16xf32>
      %swap3A_214 = vector.shape_cast %get3A_32 : vector<16xf32> to vector<1x16xf32>
      tpu.vector_store %arg7[%swap3A_210, %swap3A_211], %swap3A_214 {strides = array<i32>} : memref<512x128xf32, #tpu.memory_space<vmem>>, vector<1x16xf32>,
      %add3A_215 = arith.constant 2 : i32
      %add3A_216 = arith.addi %add3A_187, %add3A_215 : i32
      %swap3A_217 = arith.index_cast %add3A_216 : i32 to index
      %swap3A_218 = arith.constant 0 : index
      %swap3A_219 = tpu.vector_load %arg7[%swap3A_217, %swap3A_218] {strides = array<i32>} : memref<512x128xf32, #tpu.memory_space<vmem>>, vector<1x16xf32>,
      %swap3A_220 = vector.shape_cast %swap3A_219 : vector<1x16xf32> to vector<16xf32>
      %swap3A_221 = vector.shape_cast %get3A_29 : vector<16xf32> to vector<1x16xf32>
      tpu.vector_store %arg7[%swap3A_217, %swap3A_218], %swap3A_221 {strides = array<i32>} : memref<512x128xf32, #tpu.memory_space<vmem>>, vector<1x16xf32>,
      %add3A_222 = arith.constant 2 : i32
      %add3A_223 = arith.addi %add3A_187, %add3A_222 : i32
      %swap3A_224 = arith.index_cast %add3A_223 : i32 to index
      %swap3A_225 = arith.constant 16 : index
      %swap3A_226 = tpu.vector_load %arg7[%swap3A_224, %swap3A_225] {strides = array<i32>} : memref<512x128xf32, #tpu.memory_space<vmem>>, vector<1x16xf32>,
      %swap3A_227 = vector.shape_cast %swap3A_226 : vector<1x16xf32> to vector<16xf32>
      %swap3A_228 = vector.shape_cast %get3A_32 : vector<16xf32> to vector<1x16xf32>
      tpu.vector_store %arg7[%swap3A_224, %swap3A_225], %swap3A_228 {strides = array<i32>} : memref<512x128xf32, #tpu.memory_space<vmem>>, vector<1x16xf32>,
      %add3A_229 = arith.constant 3 : i32
      %add3A_230 = arith.addi %add3A_187, %add3A_229 : i32
      %swap3A_231 = arith.index_cast %add3A_230 : i32 to index
      %swap3A_232 = arith.constant 0 : index
      %swap3A_233 = tpu.vector_load %arg7[%swap3A_231, %swap3A_232] {strides = array<i32>} : memref<512x128xf32, #tpu.memory_space<vmem>>, vector<1x16xf32>,
      %swap3A_234 = vector.shape_cast %swap3A_233 : vector<1x16xf32> to vector<16xf32>
      %swap3A_235 = vector.shape_cast %get3A_29 : vector<16xf32> to vector<1x16xf32>
      tpu.vector_store %arg7[%swap3A_231, %swap3A_232], %swap3A_235 {strides = array<i32>} : memref<512x128xf32, #tpu.memory_space<vmem>>, vector<1x16xf32>,
      %add3A_236 = arith.constant 3 : i32
      %add3A_237 = arith.addi %add3A_187, %add3A_236 : i32
      %swap3A_238 = arith.index_cast %add3A_237 : i32 to index
      %swap3A_239 = arith.constant 16 : index
      %swap3A_240 = tpu.vector_load %arg7[%swap3A_238, %swap3A_239] {strides = array<i32>} : memref<512x128xf32, #tpu.memory_space<vmem>>, vector<1x16xf32>,
      %swap3A_241 = vector.shape_cast %swap3A_240 : vector<1x16xf32> to vector<16xf32>
      %swap3A_242 = vector.shape_cast %get3A_32 : vector<16xf32> to vector<1x16xf32>
      tpu.vector_store %arg7[%swap3A_238, %swap3A_239], %swap3A_242 {strides = array<i32>} : memref<512x128xf32, #tpu.memory_space<vmem>>, vector<1x16xf32>,
      %add3A_243 = arith.constant 4 : i32
      %add3A_244 = arith.addi %add3A_187, %add3A_243 : i32
      %swap3A_245 = arith.index_cast %add3A_244 : i32 to index
      %swap3A_246 = arith.constant 0 : index
      %swap3A_247 = tpu.vector_load %arg7[%swap3A_245, %swap3A_246] {strides = array<i32>} : memref<512x128xf32, #tpu.memory_space<vmem>>, vector<1x16xf32>,
      %swap3A_248 = vector.shape_cast %swap3A_247 : vector<1x16xf32> to vector<16xf32>
      %swap3A_249 = vector.shape_cast %get3A_29 : vector<16xf32> to vector<1x16xf32>
      tpu.vector_store %arg7[%swap3A_245, %swap3A_246], %swap3A_249 {strides = array<i32>} : memref<512x128xf32, #tpu.memory_space<vmem>>, vector<1x16xf32>,
      %add3A_250 = arith.constant 4 : i32
      %add3A_251 = arith.addi %add3A_187, %add3A_250 : i32
      %swap3A_252 = arith.index_cast %add3A_251 : i32 to index
      %swap3A_253 = arith.constant 16 : index
      %swap3A_254 = tpu.vector_load %arg7[%swap3A_252, %swap3A_253] {strides = array<i32>} : memref<512x128xf32, #tpu.memory_space<vmem>>, vector<1x16xf32>,
      %swap3A_255 = vector.shape_cast %swap3A_254 : vector<1x16xf32> to vector<16xf32>
      %swap3A_256 = vector.shape_cast %get3A_32 : vector<16xf32> to vector<1x16xf32>
      tpu.vector_store %arg7[%swap3A_252, %swap3A_253], %swap3A_256 {strides = array<i32>} : memref<512x128xf32, #tpu.memory_space<vmem>>, vector<1x16xf32>,
      %add3A_257 = arith.constant 5 : i32
      %add3A_258 = arith.addi %add3A_187, %add3A_257 : i32
      %swap3A_259 = arith.index_cast %add3A_258 : i32 to index
      %swap3A_260 = arith.constant 0 : index
      %swap3A_261 = tpu.vector_load %arg7[%swap3A_259, %swap3A_260] {strides = array<i32>} : memref<512x128xf32, #tpu.memory_space<vmem>>, vector<1x16xf32>,
      %swap3A_262 = vector.shape_cast %swap3A_261 : vector<1x16xf32> to vector<16xf32>
      %swap3A_263 = vector.shape_cast %get3A_29 : vector<16xf32> to vector<1x16xf32>
      tpu.vector_store %arg7[%swap3A_259, %swap3A_260], %swap3A_263 {strides = array<i32>} : memref<512x128xf32, #tpu.memory_space<vmem>>, vector<1x16xf32>,
      %add3A_264 = arith.constant 5 : i32
      %add3A_265 = arith.addi %add3A_187, %add3A_264 : i32
      %swap3A_266 = arith.index_cast %add3A_265 : i32 to index
      %swap3A_267 = arith.constant 16 : index
      %swap3A_268 = tpu.vector_load %arg7[%swap3A_266, %swap3A_267] {strides = array<i32>} : memref<512x128xf32, #tpu.memory_space<vmem>>, vector<1x16xf32>,
      %swap3A_269 = vector.shape_cast %swap3A_268 : vector<1x16xf32> to vector<16xf32>
      %swap3A_270 = vector.shape_cast %get3A_32 : vector<16xf32> to vector<1x16xf32>
      tpu.vector_store %arg7[%swap3A_266, %swap3A_267], %swap3A_270 {strides = array<i32>} : memref<512x128xf32, #tpu.memory_space<vmem>>, vector<1x16xf32>,
      %add3A_271 = arith.constant 6 : i32
      %add3A_272 = arith.addi %add3A_187, %add3A_271 : i32
      %swap3A_273 = arith.index_cast %add3A_272 : i32 to index
      %swap3A_274 = arith.constant 0 : index
      %swap3A_275 = tpu.vector_load %arg7[%swap3A_273, %swap3A_274] {strides = array<i32>} : memref<512x128xf32, #tpu.memory_space<vmem>>, vector<1x16xf32>,
      %swap3A_276 = vector.shape_cast %swap3A_275 : vector<1x16xf32> to vector<16xf32>
      %swap3A_277 = vector.shape_cast %get3A_29 : vector<16xf32> to vector<1x16xf32>
      tpu.vector_store %arg7[%swap3A_273, %swap3A_274], %swap3A_277 {strides = array<i32>} : memref<512x128xf32, #tpu.memory_space<vmem>>, vector<1x16xf32>,
      %add3A_278 = arith.constant 6 : i32
      %add3A_279 = arith.addi %add3A_187, %add3A_278 : i32
      %swap3A_280 = arith.index_cast %add3A_279 : i32 to index
      %swap3A_281 = arith.constant 16 : index
      %swap3A_282 = tpu.vector_load %arg7[%swap3A_280, %swap3A_281] {strides = array<i32>} : memref<512x128xf32, #tpu.memory_space<vmem>>, vector<1x16xf32>,
      %swap3A_283 = vector.shape_cast %swap3A_282 : vector<1x16xf32> to vector<16xf32>
      %swap3A_284 = vector.shape_cast %get3A_32 : vector<16xf32> to vector<1x16xf32>
      tpu.vector_store %arg7[%swap3A_280, %swap3A_281], %swap3A_284 {strides = array<i32>} : memref<512x128xf32, #tpu.memory_space<vmem>>, vector<1x16xf32>,
      %add3A_285 = arith.constant 7 : i32
      %add3A_286 = arith.addi %add3A_187, %add3A_285 : i32
      %swap3A_287 = arith.index_cast %add3A_286 : i32 to index
      %swap3A_288 = arith.constant 0 : index
      %swap3A_289 = tpu.vector_load %arg7[%swap3A_287, %swap3A_288] {strides = array<i32>} : memref<512x128xf32, #tpu.memory_space<vmem>>, vector<1x16xf32>,
      %swap3A_290 = vector.shape_cast %swap3A_289 : vector<1x16xf32> to vector<16xf32>
      %swap3A_291 = vector.shape_cast %get3A_29 : vector<16xf32> to vector<1x16xf32>
      tpu.vector_store %arg7[%swap3A_287, %swap3A_288], %swap3A_291 {strides = array<i32>} : memref<512x128xf32, #tpu.memory_space<vmem>>, vector<1x16xf32>,
      %add3A_292 = arith.constant 7 : i32
      %add3A_293 = arith.addi %add3A_187, %add3A_292 : i32
      %swap3A_294 = arith.index_cast %add3A_293 : i32 to index
      %swap3A_295 = arith.constant 16 : index
      %swap3A_296 = tpu.vector_load %arg7[%swap3A_294, %swap3A_295] {strides = array<i32>} : memref<512x128xf32, #tpu.memory_space<vmem>>, vector<1x16xf32>,
      %swap3A_297 = vector.shape_cast %swap3A_296 : vector<1x16xf32> to vector<16xf32>
      %swap3A_298 = vector.shape_cast %get3A_32 : vector<16xf32> to vector<1x16xf32>
      tpu.vector_store %arg7[%swap3A_294, %swap3A_295], %swap3A_298 {strides = array<i32>} : memref<512x128xf32, #tpu.memory_space<vmem>>, vector<1x16xf32>,
    }
    %scan3A_44 = arith.constant 16 : i32
    %add3A_45 = arith.constant 0 : i32
    %add3A_46 = arith.addi %mul3A_2, %add3A_45 : i32
    %dma_start3A_47 = arith.constant 0 : i32
    %dma_start3A_48 = arith.constant 0 : i32
    %dma_start3A_49 = tpu.memref_slice %arg7[%dma_start3A_47, %dma_start3A_48] : memref<512x128xf32, #tpu.memory_space<vmem>> -> memref<128x128xf32, #tpu.memory_space<vmem>>
    %dma_start3A_50 = arith.constant 0 : i32
    %dma_start3A_51 = tpu.memref_slice %arg5[%add3A_46, %dma_start3A_50] : memref<16384x128xf32, #tpu.memory_space<hbm>> -> memref<128x128xf32, #tpu.memory_space<hbm>>
    %dma_start3A_52 = arith.constant 0 : i32
    %dma_start3A_53 = tpu.memref_slice %arg5[%add3A_46, %dma_start3A_52] : memref<16384x128xf32, #tpu.memory_space<hbm>> -> memref<128x128xf32, #tpu.memory_space<hbm>>
    %dma_start3A_54 = arith.constant 0 : i32
    %dma_start3A_55 = arith.constant 0 : i32
    %dma_start3A_56 = tpu.memref_slice %arg7[%dma_start3A_54, %dma_start3A_55] : memref<512x128xf32, #tpu.memory_space<vmem>> -> memref<128x128xf32, #tpu.memory_space<vmem>>
    tpu.enqueue_dma source(%dma_start3A_56 : memref<128x128xf32, #tpu.memory_space<vmem>>) target(%dma_start3A_53 : memref<128x128xf32, #tpu.memory_space<hbm>>) target_semaphore(%arg13 : memref<!tpu.dma_semaphore, #tpu.memory_space<semaphore_mem>>)
    %dma_start3A_57 = arith.constant 384 : i32
    %dma_start3A_58 = arith.constant 0 : i32
    %dma_start3A_59 = tpu.memref_slice %arg7[%dma_start3A_57, %dma_start3A_58] : memref<512x128xf32, #tpu.memory_space<vmem>> -> memref<128x128xf32, #tpu.memory_space<vmem>>
    %dma_start3A_60 = arith.constant 384 : i32
    %dma_start3A_61 = tpu.memref_slice %arg6[%dma_start3A_60] : memref<512xi32, #tpu.memory_space<vmem>> -> memref<128xi32, #tpu.memory_space<vmem>>
    %dma_start3A_62 = arith.constant 0 : i32
    %dma_start3A_63 = arith.constant 0 : i32
    %dma_start3A_64 = tpu.memref_slice %arg3[%dma_start3A_62, %dma_start3A_63] : memref<100000x128xf32, #tpu.memory_space<hbm>> -> memref<100000x128xf32, #tpu.memory_space<hbm>>
    tpu.enqueue_indirect_dma source(%dma_start3A_64 : memref<100000x128xf32, #tpu.memory_space<hbm>>) target(%dma_start3A_59 : memref<128x128xf32, #tpu.memory_space<vmem>>) offsets(%dma_start3A_61 : memref<128xi32, #tpu.memory_space<vmem>>) semaphore(%arg12 : memref<!tpu.dma_semaphore, #tpu.memory_space<semaphore_mem>>)
    %dma_wait3A_65 = arith.constant 128 : i32
    %dma_wait3A_66 = arith.constant 0 : i32
    %dma_wait3A_67 = tpu.memref_slice %arg7[%dma_wait3A_65, %dma_wait3A_66] : memref<512x128xf32, #tpu.memory_space<vmem>> -> memref<128x128xf32, #tpu.memory_space<vmem>>
    %dma_wait3A_68 = arith.constant 128 : i32
    %dma_wait3A_69 = tpu.memref_slice %arg6[%dma_wait3A_68] : memref<512xi32, #tpu.memory_space<vmem>> -> memref<128xi32, #tpu.memory_space<vmem>>
    %dma_wait3A_70 = arith.constant 0 : i32
    %dma_wait3A_71 = arith.constant 0 : i32
    %dma_wait3A_72 = tpu.memref_slice %arg3[%dma_wait3A_70, %dma_wait3A_71] : memref<100000x128xf32, #tpu.memory_space<hbm>> -> memref<100000x128xf32, #tpu.memory_space<hbm>>
    tpu.wait_indirect_dma semaphore(%arg10 : memref<!tpu.dma_semaphore, #tpu.memory_space<semaphore_mem>>) src(%dma_wait3A_72 : memref<100000x128xf32, #tpu.memory_space<hbm>>) dst(%dma_wait3A_67 : memref<128x128xf32, #tpu.memory_space<vmem>>)
    %scan3A_73 = arith.constant 0 : i32
    %scan3A_74 = arith.constant 0 : i32
    %scan3A_75 = arith.constant 16 : i32
    %scan3A_76 = arith.addi %scan3A_74, %scan3A_75 : i32
    %scan3A_77 = arith.constant 1 : i32
    scf.for %scan3A_183 = %scan3A_74 to %scan3A_76 step %scan3A_77  : i32 {
      %mul3A_184 = arith.constant 8 : i32
      %mul3A_185 = arith.muli %scan3A_183, %mul3A_184 : i32
      %add3A_186 = arith.constant 128 : i32
      %add3A_187 = arith.addi %add3A_186, %mul3A_185 : i32
      %add3A_188 = arith.constant 0 : i32
      %add3A_189 = arith.addi %add3A_187, %add3A_188 : i32
      %swap3A = arith.index_cast %add3A_189 : i32 to index
      %swap3A_190 = arith.constant 0 : index
      %swap3A_191 = tpu.vector_load %arg7[%swap3A, %swap3A_190] {strides = array<i32>} : memref<512x128xf32, #tpu.memory_space<vmem>>, vector<1x16xf32>,
      %swap3A_192 = vector.shape_cast %swap3A_191 : vector<1x16xf32> to vector<16xf32>
      %swap3A_193 = vector.shape_cast %get3A_29 : vector<16xf32> to vector<1x16xf32>
      tpu.vector_store %arg7[%swap3A, %swap3A_190], %swap3A_193 {strides = array<i32>} : memref<512x128xf32, #tpu.memory_space<vmem>>, vector<1x16xf32>,
      %add3A_194 = arith.constant 0 : i32
      %add3A_195 = arith.addi %add3A_187, %add3A_194 : i32
      %swap3A_196 = arith.index_cast %add3A_195 : i32 to index
      %swap3A_197 = arith.constant 16 : index
      %swap3A_198 = tpu.vector_load %arg7[%swap3A_196, %swap3A_197] {strides = array<i32>} : memref<512x128xf32, #tpu.memory_space<vmem>>, vector<1x16xf32>,
      %swap3A_199 = vector.shape_cast %swap3A_198 : vector<1x16xf32> to vector<16xf32>
      %swap3A_200 = vector.shape_cast %get3A_32 : vector<16xf32> to vector<1x16xf32>
      tpu.vector_store %arg7[%swap3A_196, %swap3A_197], %swap3A_200 {strides = array<i32>} : memref<512x128xf32, #tpu.memory_space<vmem>>, vector<1x16xf32>,
      %add3A_201 = arith.constant 1 : i32
      %add3A_202 = arith.addi %add3A_187, %add3A_201 : i32
      %swap3A_203 = arith.index_cast %add3A_202 : i32 to index
      %swap3A_204 = arith.constant 0 : index
      %swap3A_205 = tpu.vector_load %arg7[%swap3A_203, %swap3A_204] {strides = array<i32>} : memref<512x128xf32, #tpu.memory_space<vmem>>, vector<1x16xf32>,
      %swap3A_206 = vector.shape_cast %swap3A_205 : vector<1x16xf32> to vector<16xf32>
      %swap3A_207 = vector.shape_cast %get3A_29 : vector<16xf32> to vector<1x16xf32>
      tpu.vector_store %arg7[%swap3A_203, %swap3A_204], %swap3A_207 {strides = array<i32>} : memref<512x128xf32, #tpu.memory_space<vmem>>, vector<1x16xf32>,
      %add3A_208 = arith.constant 1 : i32
      %add3A_209 = arith.addi %add3A_187, %add3A_208 : i32
      %swap3A_210 = arith.index_cast %add3A_209 : i32 to index
      %swap3A_211 = arith.constant 16 : index
      %swap3A_212 = tpu.vector_load %arg7[%swap3A_210, %swap3A_211] {strides = array<i32>} : memref<512x128xf32, #tpu.memory_space<vmem>>, vector<1x16xf32>,
      %swap3A_213 = vector.shape_cast %swap3A_212 : vector<1x16xf32> to vector<16xf32>
      %swap3A_214 = vector.shape_cast %get3A_32 : vector<16xf32> to vector<1x16xf32>
      tpu.vector_store %arg7[%swap3A_210, %swap3A_211], %swap3A_214 {strides = array<i32>} : memref<512x128xf32, #tpu.memory_space<vmem>>, vector<1x16xf32>,
      %add3A_215 = arith.constant 2 : i32
      %add3A_216 = arith.addi %add3A_187, %add3A_215 : i32
      %swap3A_217 = arith.index_cast %add3A_216 : i32 to index
      %swap3A_218 = arith.constant 0 : index
      %swap3A_219 = tpu.vector_load %arg7[%swap3A_217, %swap3A_218] {strides = array<i32>} : memref<512x128xf32, #tpu.memory_space<vmem>>, vector<1x16xf32>,
      %swap3A_220 = vector.shape_cast %swap3A_219 : vector<1x16xf32> to vector<16xf32>
      %swap3A_221 = vector.shape_cast %get3A_29 : vector<16xf32> to vector<1x16xf32>
      tpu.vector_store %arg7[%swap3A_217, %swap3A_218], %swap3A_221 {strides = array<i32>} : memref<512x128xf32, #tpu.memory_space<vmem>>, vector<1x16xf32>,
      %add3A_222 = arith.constant 2 : i32
      %add3A_223 = arith.addi %add3A_187, %add3A_222 : i32
      %swap3A_224 = arith.index_cast %add3A_223 : i32 to index
      %swap3A_225 = arith.constant 16 : index
      %swap3A_226 = tpu.vector_load %arg7[%swap3A_224, %swap3A_225] {strides = array<i32>} : memref<512x128xf32, #tpu.memory_space<vmem>>, vector<1x16xf32>,
      %swap3A_227 = vector.shape_cast %swap3A_226 : vector<1x16xf32> to vector<16xf32>
      %swap3A_228 = vector.shape_cast %get3A_32 : vector<16xf32> to vector<1x16xf32>
      tpu.vector_store %arg7[%swap3A_224, %swap3A_225], %swap3A_228 {strides = array<i32>} : memref<512x128xf32, #tpu.memory_space<vmem>>, vector<1x16xf32>,
      %add3A_229 = arith.constant 3 : i32
      %add3A_230 = arith.addi %add3A_187, %add3A_229 : i32
      %swap3A_231 = arith.index_cast %add3A_230 : i32 to index
      %swap3A_232 = arith.constant 0 : index
      %swap3A_233 = tpu.vector_load %arg7[%swap3A_231, %swap3A_232] {strides = array<i32>} : memref<512x128xf32, #tpu.memory_space<vmem>>, vector<1x16xf32>,
      %swap3A_234 = vector.shape_cast %swap3A_233 : vector<1x16xf32> to vector<16xf32>
      %swap3A_235 = vector.shape_cast %get3A_29 : vector<16xf32> to vector<1x16xf32>
      tpu.vector_store %arg7[%swap3A_231, %swap3A_232], %swap3A_235 {strides = array<i32>} : memref<512x128xf32, #tpu.memory_space<vmem>>, vector<1x16xf32>,
      %add3A_236 = arith.constant 3 : i32
      %add3A_237 = arith.addi %add3A_187, %add3A_236 : i32
      %swap3A_238 = arith.index_cast %add3A_237 : i32 to index
      %swap3A_239 = arith.constant 16 : index
      %swap3A_240 = tpu.vector_load %arg7[%swap3A_238, %swap3A_239] {strides = array<i32>} : memref<512x128xf32, #tpu.memory_space<vmem>>, vector<1x16xf32>,
      %swap3A_241 = vector.shape_cast %swap3A_240 : vector<1x16xf32> to vector<16xf32>
      %swap3A_242 = vector.shape_cast %get3A_32 : vector<16xf32> to vector<1x16xf32>
      tpu.vector_store %arg7[%swap3A_238, %swap3A_239], %swap3A_242 {strides = array<i32>} : memref<512x128xf32, #tpu.memory_space<vmem>>, vector<1x16xf32>,
      %add3A_243 = arith.constant 4 : i32
      %add3A_244 = arith.addi %add3A_187, %add3A_243 : i32
      %swap3A_245 = arith.index_cast %add3A_244 : i32 to index
      %swap3A_246 = arith.constant 0 : index
      %swap3A_247 = tpu.vector_load %arg7[%swap3A_245, %swap3A_246] {strides = array<i32>} : memref<512x128xf32, #tpu.memory_space<vmem>>, vector<1x16xf32>,
      %swap3A_248 = vector.shape_cast %swap3A_247 : vector<1x16xf32> to vector<16xf32>
      %swap3A_249 = vector.shape_cast %get3A_29 : vector<16xf32> to vector<1x16xf32>
      tpu.vector_store %arg7[%swap3A_245, %swap3A_246], %swap3A_249 {strides = array<i32>} : memref<512x128xf32, #tpu.memory_space<vmem>>, vector<1x16xf32>,
      %add3A_250 = arith.constant 4 : i32
      %add3A_251 = arith.addi %add3A_187, %add3A_250 : i32
      %swap3A_252 = arith.index_cast %add3A_251 : i32 to index
      %swap3A_253 = arith.constant 16 : index
      %swap3A_254 = tpu.vector_load %arg7[%swap3A_252, %swap3A_253] {strides = array<i32>} : memref<512x128xf32, #tpu.memory_space<vmem>>, vector<1x16xf32>,
      %swap3A_255 = vector.shape_cast %swap3A_254 : vector<1x16xf32> to vector<16xf32>
      %swap3A_256 = vector.shape_cast %get3A_32 : vector<16xf32> to vector<1x16xf32>
      tpu.vector_store %arg7[%swap3A_252, %swap3A_253], %swap3A_256 {strides = array<i32>} : memref<512x128xf32, #tpu.memory_space<vmem>>, vector<1x16xf32>,
      %add3A_257 = arith.constant 5 : i32
      %add3A_258 = arith.addi %add3A_187, %add3A_257 : i32
      %swap3A_259 = arith.index_cast %add3A_258 : i32 to index
      %swap3A_260 = arith.constant 0 : index
      %swap3A_261 = tpu.vector_load %arg7[%swap3A_259, %swap3A_260] {strides = array<i32>} : memref<512x128xf32, #tpu.memory_space<vmem>>, vector<1x16xf32>,
      %swap3A_262 = vector.shape_cast %swap3A_261 : vector<1x16xf32> to vector<16xf32>
      %swap3A_263 = vector.shape_cast %get3A_29 : vector<16xf32> to vector<1x16xf32>
      tpu.vector_store %arg7[%swap3A_259, %swap3A_260], %swap3A_263 {strides = array<i32>} : memref<512x128xf32, #tpu.memory_space<vmem>>, vector<1x16xf32>,
      %add3A_264 = arith.constant 5 : i32
      %add3A_265 = arith.addi %add3A_187, %add3A_264 : i32
      %swap3A_266 = arith.index_cast %add3A_265 : i32 to index
      %swap3A_267 = arith.constant 16 : index
      %swap3A_268 = tpu.vector_load %arg7[%swap3A_266, %swap3A_267] {strides = array<i32>} : memref<512x128xf32, #tpu.memory_space<vmem>>, vector<1x16xf32>,
      %swap3A_269 = vector.shape_cast %swap3A_268 : vector<1x16xf32> to vector<16xf32>
      %swap3A_270 = vector.shape_cast %get3A_32 : vector<16xf32> to vector<1x16xf32>
      tpu.vector_store %arg7[%swap3A_266, %swap3A_267], %swap3A_270 {strides = array<i32>} : memref<512x128xf32, #tpu.memory_space<vmem>>, vector<1x16xf32>,
      %add3A_271 = arith.constant 6 : i32
      %add3A_272 = arith.addi %add3A_187, %add3A_271 : i32
      %swap3A_273 = arith.index_cast %add3A_272 : i32 to index
      %swap3A_274 = arith.constant 0 : index
      %swap3A_275 = tpu.vector_load %arg7[%swap3A_273, %swap3A_274] {strides = array<i32>} : memref<512x128xf32, #tpu.memory_space<vmem>>, vector<1x16xf32>,
      %swap3A_276 = vector.shape_cast %swap3A_275 : vector<1x16xf32> to vector<16xf32>
      %swap3A_277 = vector.shape_cast %get3A_29 : vector<16xf32> to vector<1x16xf32>
      tpu.vector_store %arg7[%swap3A_273, %swap3A_274], %swap3A_277 {strides = array<i32>} : memref<512x128xf32, #tpu.memory_space<vmem>>, vector<1x16xf32>,
      %add3A_278 = arith.constant 6 : i32
      %add3A_279 = arith.addi %add3A_187, %add3A_278 : i32
      %swap3A_280 = arith.index_cast %add3A_279 : i32 to index
      %swap3A_281 = arith.constant 16 : index
      %swap3A_282 = tpu.vector_load %arg7[%swap3A_280, %swap3A_281] {strides = array<i32>} : memref<512x128xf32, #tpu.memory_space<vmem>>, vector<1x16xf32>,
      %swap3A_283 = vector.shape_cast %swap3A_282 : vector<1x16xf32> to vector<16xf32>
      %swap3A_284 = vector.shape_cast %get3A_32 : vector<16xf32> to vector<1x16xf32>
      tpu.vector_store %arg7[%swap3A_280, %swap3A_281], %swap3A_284 {strides = array<i32>} : memref<512x128xf32, #tpu.memory_space<vmem>>, vector<1x16xf32>,
      %add3A_285 = arith.constant 7 : i32
      %add3A_286 = arith.addi %add3A_187, %add3A_285 : i32
      %swap3A_287 = arith.index_cast %add3A_286 : i32 to index
      %swap3A_288 = arith.constant 0 : index
      %swap3A_289 = tpu.vector_load %arg7[%swap3A_287, %swap3A_288] {strides = array<i32>} : memref<512x128xf32, #tpu.memory_space<vmem>>, vector<1x16xf32>,
      %swap3A_290 = vector.shape_cast %swap3A_289 : vector<1x16xf32> to vector<16xf32>
      %swap3A_291 = vector.shape_cast %get3A_29 : vector<16xf32> to vector<1x16xf32>
      tpu.vector_store %arg7[%swap3A_287, %swap3A_288], %swap3A_291 {strides = array<i32>} : memref<512x128xf32, #tpu.memory_space<vmem>>, vector<1x16xf32>,
      %add3A_292 = arith.constant 7 : i32
      %add3A_293 = arith.addi %add3A_187, %add3A_292 : i32
      %swap3A_294 = arith.index_cast %add3A_293 : i32 to index
      %swap3A_295 = arith.constant 16 : index
      %swap3A_296 = tpu.vector_load %arg7[%swap3A_294, %swap3A_295] {strides = array<i32>} : memref<512x128xf32, #tpu.memory_space<vmem>>, vector<1x16xf32>,
      %swap3A_297 = vector.shape_cast %swap3A_296 : vector<1x16xf32> to vector<16xf32>
      %swap3A_298 = vector.shape_cast %get3A_32 : vector<16xf32> to vector<1x16xf32>
      tpu.vector_store %arg7[%swap3A_294, %swap3A_295], %swap3A_298 {strides = array<i32>} : memref<512x128xf32, #tpu.memory_space<vmem>>, vector<1x16xf32>,
    }
    %scan3A_78 = arith.constant 16 : i32
    %add3A_79 = arith.constant 128 : i32
    %add3A_80 = arith.addi %mul3A_2, %add3A_79 : i32
    %dma_start3A_81 = arith.constant 128 : i32
    %dma_start3A_82 = arith.constant 0 : i32
    %dma_start3A_83 = tpu.memref_slice %arg7[%dma_start3A_81, %dma_start3A_82] : memref<512x128xf32, #tpu.memory_space<vmem>> -> memref<128x128xf32, #tpu.memory_space<vmem>>
    %dma_start3A_84 = arith.constant 0 : i32
    %dma_start3A_85 = tpu.memref_slice %arg5[%add3A_80, %dma_start3A_84] : memref<16384x128xf32, #tpu.memory_space<hbm>> -> memref<128x128xf32, #tpu.memory_space<hbm>>
    %dma_start3A_86 = arith.constant 0 : i32
    %dma_start3A_87 = tpu.memref_slice %arg5[%add3A_80, %dma_start3A_86] : memref<16384x128xf32, #tpu.memory_space<hbm>> -> memref<128x128xf32, #tpu.memory_space<hbm>>
    %dma_start3A_88 = arith.constant 128 : i32
    %dma_start3A_89 = arith.constant 0 : i32
    %dma_start3A_90 = tpu.memref_slice %arg7[%dma_start3A_88, %dma_start3A_89] : memref<512x128xf32, #tpu.memory_space<vmem>> -> memref<128x128xf32, #tpu.memory_space<vmem>>
    tpu.enqueue_dma source(%dma_start3A_90 : memref<128x128xf32, #tpu.memory_space<vmem>>) target(%dma_start3A_87 : memref<128x128xf32, #tpu.memory_space<hbm>>) target_semaphore(%arg13 : memref<!tpu.dma_semaphore, #tpu.memory_space<semaphore_mem>>)
    %dma_wait3A_91 = arith.constant 256 : i32
    %dma_wait3A_92 = arith.constant 0 : i32
    %dma_wait3A_93 = tpu.memref_slice %arg7[%dma_wait3A_91, %dma_wait3A_92] : memref<512x128xf32, #tpu.memory_space<vmem>> -> memref<128x128xf32, #tpu.memory_space<vmem>>
    %dma_wait3A_94 = arith.constant 256 : i32
    %dma_wait3A_95 = tpu.memref_slice %arg6[%dma_wait3A_94] : memref<512xi32, #tpu.memory_space<vmem>> -> memref<128xi32, #tpu.memory_space<vmem>>
    %dma_wait3A_96 = arith.constant 0 : i32
    %dma_wait3A_97 = arith.constant 0 : i32
    %dma_wait3A_98 = tpu.memref_slice %arg3[%dma_wait3A_96, %dma_wait3A_97] : memref<100000x128xf32, #tpu.memory_space<hbm>> -> memref<100000x128xf32, #tpu.memory_space<hbm>>
    tpu.wait_indirect_dma semaphore(%arg11 : memref<!tpu.dma_semaphore, #tpu.memory_space<semaphore_mem>>) src(%dma_wait3A_98 : memref<100000x128xf32, #tpu.memory_space<hbm>>) dst(%dma_wait3A_93 : memref<128x128xf32, #tpu.memory_space<vmem>>)
    %scan3A_99 = arith.constant 0 : i32
    %scan3A_100 = arith.constant 0 : i32
    %scan3A_101 = arith.constant 16 : i32
    %scan3A_102 = arith.addi %scan3A_100, %scan3A_101 : i32
    %scan3A_103 = arith.constant 1 : i32
    scf.for %scan3A_183 = %scan3A_100 to %scan3A_102 step %scan3A_103  : i32 {
      %mul3A_184 = arith.constant 8 : i32
      %mul3A_185 = arith.muli %scan3A_183, %mul3A_184 : i32
      %add3A_186 = arith.constant 256 : i32
      %add3A_187 = arith.addi %add3A_186, %mul3A_185 : i32
      %add3A_188 = arith.constant 0 : i32
      %add3A_189 = arith.addi %add3A_187, %add3A_188 : i32
      %swap3A = arith.index_cast %add3A_189 : i32 to index
      %swap3A_190 = arith.constant 0 : index
      %swap3A_191 = tpu.vector_load %arg7[%swap3A, %swap3A_190] {strides = array<i32>} : memref<512x128xf32, #tpu.memory_space<vmem>>, vector<1x16xf32>,
      %swap3A_192 = vector.shape_cast %swap3A_191 : vector<1x16xf32> to vector<16xf32>
      %swap3A_193 = vector.shape_cast %get3A_29 : vector<16xf32> to vector<1x16xf32>
      tpu.vector_store %arg7[%swap3A, %swap3A_190], %swap3A_193 {strides = array<i32>} : memref<512x128xf32, #tpu.memory_space<vmem>>, vector<1x16xf32>,
      %add3A_194 = arith.constant 0 : i32
      %add3A_195 = arith.addi %add3A_187, %add3A_194 : i32
      %swap3A_196 = arith.index_cast %add3A_195 : i32 to index
      %swap3A_197 = arith.constant 16 : index
      %swap3A_198 = tpu.vector_load %arg7[%swap3A_196, %swap3A_197] {strides = array<i32>} : memref<512x128xf32, #tpu.memory_space<vmem>>, vector<1x16xf32>,
      %swap3A_199 = vector.shape_cast %swap3A_198 : vector<1x16xf32> to vector<16xf32>
      %swap3A_200 = vector.shape_cast %get3A_32 : vector<16xf32> to vector<1x16xf32>
      tpu.vector_store %arg7[%swap3A_196, %swap3A_197], %swap3A_200 {strides = array<i32>} : memref<512x128xf32, #tpu.memory_space<vmem>>, vector<1x16xf32>,
      %add3A_201 = arith.constant 1 : i32
      %add3A_202 = arith.addi %add3A_187, %add3A_201 : i32
      %swap3A_203 = arith.index_cast %add3A_202 : i32 to index
      %swap3A_204 = arith.constant 0 : index
      %swap3A_205 = tpu.vector_load %arg7[%swap3A_203, %swap3A_204] {strides = array<i32>} : memref<512x128xf32, #tpu.memory_space<vmem>>, vector<1x16xf32>,
      %swap3A_206 = vector.shape_cast %swap3A_205 : vector<1x16xf32> to vector<16xf32>
      %swap3A_207 = vector.shape_cast %get3A_29 : vector<16xf32> to vector<1x16xf32>
      tpu.vector_store %arg7[%swap3A_203, %swap3A_204], %swap3A_207 {strides = array<i32>} : memref<512x128xf32, #tpu.memory_space<vmem>>, vector<1x16xf32>,
      %add3A_208 = arith.constant 1 : i32
      %add3A_209 = arith.addi %add3A_187, %add3A_208 : i32
      %swap3A_210 = arith.index_cast %add3A_209 : i32 to index
      %swap3A_211 = arith.constant 16 : index
      %swap3A_212 = tpu.vector_load %arg7[%swap3A_210, %swap3A_211] {strides = array<i32>} : memref<512x128xf32, #tpu.memory_space<vmem>>, vector<1x16xf32>,
      %swap3A_213 = vector.shape_cast %swap3A_212 : vector<1x16xf32> to vector<16xf32>
      %swap3A_214 = vector.shape_cast %get3A_32 : vector<16xf32> to vector<1x16xf32>
      tpu.vector_store %arg7[%swap3A_210, %swap3A_211], %swap3A_214 {strides = array<i32>} : memref<512x128xf32, #tpu.memory_space<vmem>>, vector<1x16xf32>,
      %add3A_215 = arith.constant 2 : i32
      %add3A_216 = arith.addi %add3A_187, %add3A_215 : i32
      %swap3A_217 = arith.index_cast %add3A_216 : i32 to index
      %swap3A_218 = arith.constant 0 : index
      %swap3A_219 = tpu.vector_load %arg7[%swap3A_217, %swap3A_218] {strides = array<i32>} : memref<512x128xf32, #tpu.memory_space<vmem>>, vector<1x16xf32>,
      %swap3A_220 = vector.shape_cast %swap3A_219 : vector<1x16xf32> to vector<16xf32>
      %swap3A_221 = vector.shape_cast %get3A_29 : vector<16xf32> to vector<1x16xf32>
      tpu.vector_store %arg7[%swap3A_217, %swap3A_218], %swap3A_221 {strides = array<i32>} : memref<512x128xf32, #tpu.memory_space<vmem>>, vector<1x16xf32>,
      %add3A_222 = arith.constant 2 : i32
      %add3A_223 = arith.addi %add3A_187, %add3A_222 : i32
      %swap3A_224 = arith.index_cast %add3A_223 : i32 to index
      %swap3A_225 = arith.constant 16 : index
      %swap3A_226 = tpu.vector_load %arg7[%swap3A_224, %swap3A_225] {strides = array<i32>} : memref<512x128xf32, #tpu.memory_space<vmem>>, vector<1x16xf32>,
      %swap3A_227 = vector.shape_cast %swap3A_226 : vector<1x16xf32> to vector<16xf32>
      %swap3A_228 = vector.shape_cast %get3A_32 : vector<16xf32> to vector<1x16xf32>
      tpu.vector_store %arg7[%swap3A_224, %swap3A_225], %swap3A_228 {strides = array<i32>} : memref<512x128xf32, #tpu.memory_space<vmem>>, vector<1x16xf32>,
      %add3A_229 = arith.constant 3 : i32
      %add3A_230 = arith.addi %add3A_187, %add3A_229 : i32
      %swap3A_231 = arith.index_cast %add3A_230 : i32 to index
      %swap3A_232 = arith.constant 0 : index
      %swap3A_233 = tpu.vector_load %arg7[%swap3A_231, %swap3A_232] {strides = array<i32>} : memref<512x128xf32, #tpu.memory_space<vmem>>, vector<1x16xf32>,
      %swap3A_234 = vector.shape_cast %swap3A_233 : vector<1x16xf32> to vector<16xf32>
      %swap3A_235 = vector.shape_cast %get3A_29 : vector<16xf32> to vector<1x16xf32>
      tpu.vector_store %arg7[%swap3A_231, %swap3A_232], %swap3A_235 {strides = array<i32>} : memref<512x128xf32, #tpu.memory_space<vmem>>, vector<1x16xf32>,
      %add3A_236 = arith.constant 3 : i32
      %add3A_237 = arith.addi %add3A_187, %add3A_236 : i32
      %swap3A_238 = arith.index_cast %add3A_237 : i32 to index
      %swap3A_239 = arith.constant 16 : index
      %swap3A_240 = tpu.vector_load %arg7[%swap3A_238, %swap3A_239] {strides = array<i32>} : memref<512x128xf32, #tpu.memory_space<vmem>>, vector<1x16xf32>,
      %swap3A_241 = vector.shape_cast %swap3A_240 : vector<1x16xf32> to vector<16xf32>
      %swap3A_242 = vector.shape_cast %get3A_32 : vector<16xf32> to vector<1x16xf32>
      tpu.vector_store %arg7[%swap3A_238, %swap3A_239], %swap3A_242 {strides = array<i32>} : memref<512x128xf32, #tpu.memory_space<vmem>>, vector<1x16xf32>,
      %add3A_243 = arith.constant 4 : i32
      %add3A_244 = arith.addi %add3A_187, %add3A_243 : i32
      %swap3A_245 = arith.index_cast %add3A_244 : i32 to index
      %swap3A_246 = arith.constant 0 : index
      %swap3A_247 = tpu.vector_load %arg7[%swap3A_245, %swap3A_246] {strides = array<i32>} : memref<512x128xf32, #tpu.memory_space<vmem>>, vector<1x16xf32>,
      %swap3A_248 = vector.shape_cast %swap3A_247 : vector<1x16xf32> to vector<16xf32>
      %swap3A_249 = vector.shape_cast %get3A_29 : vector<16xf32> to vector<1x16xf32>
      tpu.vector_store %arg7[%swap3A_245, %swap3A_246], %swap3A_249 {strides = array<i32>} : memref<512x128xf32, #tpu.memory_space<vmem>>, vector<1x16xf32>,
      %add3A_250 = arith.constant 4 : i32
      %add3A_251 = arith.addi %add3A_187, %add3A_250 : i32
      %swap3A_252 = arith.index_cast %add3A_251 : i32 to index
      %swap3A_253 = arith.constant 16 : index
      %swap3A_254 = tpu.vector_load %arg7[%swap3A_252, %swap3A_253] {strides = array<i32>} : memref<512x128xf32, #tpu.memory_space<vmem>>, vector<1x16xf32>,
      %swap3A_255 = vector.shape_cast %swap3A_254 : vector<1x16xf32> to vector<16xf32>
      %swap3A_256 = vector.shape_cast %get3A_32 : vector<16xf32> to vector<1x16xf32>
      tpu.vector_store %arg7[%swap3A_252, %swap3A_253], %swap3A_256 {strides = array<i32>} : memref<512x128xf32, #tpu.memory_space<vmem>>, vector<1x16xf32>,
      %add3A_257 = arith.constant 5 : i32
      %add3A_258 = arith.addi %add3A_187, %add3A_257 : i32
      %swap3A_259 = arith.index_cast %add3A_258 : i32 to index
      %swap3A_260 = arith.constant 0 : index
      %swap3A_261 = tpu.vector_load %arg7[%swap3A_259, %swap3A_260] {strides = array<i32>} : memref<512x128xf32, #tpu.memory_space<vmem>>, vector<1x16xf32>,
      %swap3A_262 = vector.shape_cast %swap3A_261 : vector<1x16xf32> to vector<16xf32>
      %swap3A_263 = vector.shape_cast %get3A_29 : vector<16xf32> to vector<1x16xf32>
      tpu.vector_store %arg7[%swap3A_259, %swap3A_260], %swap3A_263 {strides = array<i32>} : memref<512x128xf32, #tpu.memory_space<vmem>>, vector<1x16xf32>,
      %add3A_264 = arith.constant 5 : i32
      %add3A_265 = arith.addi %add3A_187, %add3A_264 : i32
      %swap3A_266 = arith.index_cast %add3A_265 : i32 to index
      %swap3A_267 = arith.constant 16 : index
      %swap3A_268 = tpu.vector_load %arg7[%swap3A_266, %swap3A_267] {strides = array<i32>} : memref<512x128xf32, #tpu.memory_space<vmem>>, vector<1x16xf32>,
      %swap3A_269 = vector.shape_cast %swap3A_268 : vector<1x16xf32> to vector<16xf32>
      %swap3A_270 = vector.shape_cast %get3A_32 : vector<16xf32> to vector<1x16xf32>
      tpu.vector_store %arg7[%swap3A_266, %swap3A_267], %swap3A_270 {strides = array<i32>} : memref<512x128xf32, #tpu.memory_space<vmem>>, vector<1x16xf32>,
      %add3A_271 = arith.constant 6 : i32
      %add3A_272 = arith.addi %add3A_187, %add3A_271 : i32
      %swap3A_273 = arith.index_cast %add3A_272 : i32 to index
      %swap3A_274 = arith.constant 0 : index
      %swap3A_275 = tpu.vector_load %arg7[%swap3A_273, %swap3A_274] {strides = array<i32>} : memref<512x128xf32, #tpu.memory_space<vmem>>, vector<1x16xf32>,
      %swap3A_276 = vector.shape_cast %swap3A_275 : vector<1x16xf32> to vector<16xf32>
      %swap3A_277 = vector.shape_cast %get3A_29 : vector<16xf32> to vector<1x16xf32>
      tpu.vector_store %arg7[%swap3A_273, %swap3A_274], %swap3A_277 {strides = array<i32>} : memref<512x128xf32, #tpu.memory_space<vmem>>, vector<1x16xf32>,
      %add3A_278 = arith.constant 6 : i32
      %add3A_279 = arith.addi %add3A_187, %add3A_278 : i32
      %swap3A_280 = arith.index_cast %add3A_279 : i32 to index
      %swap3A_281 = arith.constant 16 : index
      %swap3A_282 = tpu.vector_load %arg7[%swap3A_280, %swap3A_281] {strides = array<i32>} : memref<512x128xf32, #tpu.memory_space<vmem>>, vector<1x16xf32>,
      %swap3A_283 = vector.shape_cast %swap3A_282 : vector<1x16xf32> to vector<16xf32>
      %swap3A_284 = vector.shape_cast %get3A_32 : vector<16xf32> to vector<1x16xf32>
      tpu.vector_store %arg7[%swap3A_280, %swap3A_281], %swap3A_284 {strides = array<i32>} : memref<512x128xf32, #tpu.memory_space<vmem>>, vector<1x16xf32>,
      %add3A_285 = arith.constant 7 : i32
      %add3A_286 = arith.addi %add3A_187, %add3A_285 : i32
      %swap3A_287 = arith.index_cast %add3A_286 : i32 to index
      %swap3A_288 = arith.constant 0 : index
      %swap3A_289 = tpu.vector_load %arg7[%swap3A_287, %swap3A_288] {strides = array<i32>} : memref<512x128xf32, #tpu.memory_space<vmem>>, vector<1x16xf32>,
      %swap3A_290 = vector.shape_cast %swap3A_289 : vector<1x16xf32> to vector<16xf32>
      %swap3A_291 = vector.shape_cast %get3A_29 : vector<16xf32> to vector<1x16xf32>
      tpu.vector_store %arg7[%swap3A_287, %swap3A_288], %swap3A_291 {strides = array<i32>} : memref<512x128xf32, #tpu.memory_space<vmem>>, vector<1x16xf32>,
      %add3A_292 = arith.constant 7 : i32
      %add3A_293 = arith.addi %add3A_187, %add3A_292 : i32
      %swap3A_294 = arith.index_cast %add3A_293 : i32 to index
      %swap3A_295 = arith.constant 16 : index
      %swap3A_296 = tpu.vector_load %arg7[%swap3A_294, %swap3A_295] {strides = array<i32>} : memref<512x128xf32, #tpu.memory_space<vmem>>, vector<1x16xf32>,
      %swap3A_297 = vector.shape_cast %swap3A_296 : vector<1x16xf32> to vector<16xf32>
      %swap3A_298 = vector.shape_cast %get3A_32 : vector<16xf32> to vector<1x16xf32>
      tpu.vector_store %arg7[%swap3A_294, %swap3A_295], %swap3A_298 {strides = array<i32>} : memref<512x128xf32, #tpu.memory_space<vmem>>, vector<1x16xf32>,
    }
    %scan3A_104 = arith.constant 16 : i32
    %add3A_105 = arith.constant 256 : i32
    %add3A_106 = arith.addi %mul3A_2, %add3A_105 : i32
    %dma_start3A_107 = arith.constant 256 : i32
    %dma_start3A_108 = arith.constant 0 : i32
    %dma_start3A_109 = tpu.memref_slice %arg7[%dma_start3A_107, %dma_start3A_108] : memref<512x128xf32, #tpu.memory_space<vmem>> -> memref<128x128xf32, #tpu.memory_space<vmem>>
    %dma_start3A_110 = arith.constant 0 : i32
    %dma_start3A_111 = tpu.memref_slice %arg5[%add3A_106, %dma_start3A_110] : memref<16384x128xf32, #tpu.memory_space<hbm>> -> memref<128x128xf32, #tpu.memory_space<hbm>>
    %dma_start3A_112 = arith.constant 0 : i32
    %dma_start3A_113 = tpu.memref_slice %arg5[%add3A_106, %dma_start3A_112] : memref<16384x128xf32, #tpu.memory_space<hbm>> -> memref<128x128xf32, #tpu.memory_space<hbm>>
    %dma_start3A_114 = arith.constant 256 : i32
    %dma_start3A_115 = arith.constant 0 : i32
    %dma_start3A_116 = tpu.memref_slice %arg7[%dma_start3A_114, %dma_start3A_115] : memref<512x128xf32, #tpu.memory_space<vmem>> -> memref<128x128xf32, #tpu.memory_space<vmem>>
    tpu.enqueue_dma source(%dma_start3A_116 : memref<128x128xf32, #tpu.memory_space<vmem>>) target(%dma_start3A_113 : memref<128x128xf32, #tpu.memory_space<hbm>>) target_semaphore(%arg13 : memref<!tpu.dma_semaphore, #tpu.memory_space<semaphore_mem>>)
    %dma_wait3A_117 = arith.constant 384 : i32
    %dma_wait3A_118 = arith.constant 0 : i32
    %dma_wait3A_119 = tpu.memref_slice %arg7[%dma_wait3A_117, %dma_wait3A_118] : memref<512x128xf32, #tpu.memory_space<vmem>> -> memref<128x128xf32, #tpu.memory_space<vmem>>
    %dma_wait3A_120 = arith.constant 384 : i32
    %dma_wait3A_121 = tpu.memref_slice %arg6[%dma_wait3A_120] : memref<512xi32, #tpu.memory_space<vmem>> -> memref<128xi32, #tpu.memory_space<vmem>>
    %dma_wait3A_122 = arith.constant 0 : i32
    %dma_wait3A_123 = arith.constant 0 : i32
    %dma_wait3A_124 = tpu.memref_slice %arg3[%dma_wait3A_122, %dma_wait3A_123] : memref<100000x128xf32, #tpu.memory_space<hbm>> -> memref<100000x128xf32, #tpu.memory_space<hbm>>
    tpu.wait_indirect_dma semaphore(%arg12 : memref<!tpu.dma_semaphore, #tpu.memory_space<semaphore_mem>>) src(%dma_wait3A_124 : memref<100000x128xf32, #tpu.memory_space<hbm>>) dst(%dma_wait3A_119 : memref<128x128xf32, #tpu.memory_space<vmem>>)
    %scan3A_125 = arith.constant 0 : i32
    %scan3A_126 = arith.constant 0 : i32
    %scan3A_127 = arith.constant 16 : i32
    %scan3A_128 = arith.addi %scan3A_126, %scan3A_127 : i32
    %scan3A_129 = arith.constant 1 : i32
    scf.for %scan3A_183 = %scan3A_126 to %scan3A_128 step %scan3A_129  : i32 {
      %mul3A_184 = arith.constant 8 : i32
      %mul3A_185 = arith.muli %scan3A_183, %mul3A_184 : i32
      %add3A_186 = arith.constant 384 : i32
      %add3A_187 = arith.addi %add3A_186, %mul3A_185 : i32
      %add3A_188 = arith.constant 0 : i32
      %add3A_189 = arith.addi %add3A_187, %add3A_188 : i32
      %swap3A = arith.index_cast %add3A_189 : i32 to index
      %swap3A_190 = arith.constant 0 : index
      %swap3A_191 = tpu.vector_load %arg7[%swap3A, %swap3A_190] {strides = array<i32>} : memref<512x128xf32, #tpu.memory_space<vmem>>, vector<1x16xf32>,
      %swap3A_192 = vector.shape_cast %swap3A_191 : vector<1x16xf32> to vector<16xf32>
      %swap3A_193 = vector.shape_cast %get3A_29 : vector<16xf32> to vector<1x16xf32>
      tpu.vector_store %arg7[%swap3A, %swap3A_190], %swap3A_193 {strides = array<i32>} : memref<512x128xf32, #tpu.memory_space<vmem>>, vector<1x16xf32>,
      %add3A_194 = arith.constant 0 : i32
      %add3A_195 = arith.addi %add3A_187, %add3A_194 : i32
      %swap3A_196 = arith.index_cast %add3A_195 : i32 to index
      %swap3A_197 = arith.constant 16 : index
      %swap3A_198 = tpu.vector_load %arg7[%swap3A_196, %swap3A_197] {strides = array<i32>} : memref<512x128xf32, #tpu.memory_space<vmem>>, vector<1x16xf32>,
      %swap3A_199 = vector.shape_cast %swap3A_198 : vector<1x16xf32> to vector<16xf32>
      %swap3A_200 = vector.shape_cast %get3A_32 : vector<16xf32> to vector<1x16xf32>
      tpu.vector_store %arg7[%swap3A_196, %swap3A_197], %swap3A_200 {strides = array<i32>} : memref<512x128xf32, #tpu.memory_space<vmem>>, vector<1x16xf32>,
      %add3A_201 = arith.constant 1 : i32
      %add3A_202 = arith.addi %add3A_187, %add3A_201 : i32
      %swap3A_203 = arith.index_cast %add3A_202 : i32 to index
      %swap3A_204 = arith.constant 0 : index
      %swap3A_205 = tpu.vector_load %arg7[%swap3A_203, %swap3A_204] {strides = array<i32>} : memref<512x128xf32, #tpu.memory_space<vmem>>, vector<1x16xf32>,
      %swap3A_206 = vector.shape_cast %swap3A_205 : vector<1x16xf32> to vector<16xf32>
      %swap3A_207 = vector.shape_cast %get3A_29 : vector<16xf32> to vector<1x16xf32>
      tpu.vector_store %arg7[%swap3A_203, %swap3A_204], %swap3A_207 {strides = array<i32>} : memref<512x128xf32, #tpu.memory_space<vmem>>, vector<1x16xf32>,
      %add3A_208 = arith.constant 1 : i32
      %add3A_209 = arith.addi %add3A_187, %add3A_208 : i32
      %swap3A_210 = arith.index_cast %add3A_209 : i32 to index
      %swap3A_211 = arith.constant 16 : index
      %swap3A_212 = tpu.vector_load %arg7[%swap3A_210, %swap3A_211] {strides = array<i32>} : memref<512x128xf32, #tpu.memory_space<vmem>>, vector<1x16xf32>,
      %swap3A_213 = vector.shape_cast %swap3A_212 : vector<1x16xf32> to vector<16xf32>
      %swap3A_214 = vector.shape_cast %get3A_32 : vector<16xf32> to vector<1x16xf32>
      tpu.vector_store %arg7[%swap3A_210, %swap3A_211], %swap3A_214 {strides = array<i32>} : memref<512x128xf32, #tpu.memory_space<vmem>>, vector<1x16xf32>,
      %add3A_215 = arith.constant 2 : i32
      %add3A_216 = arith.addi %add3A_187, %add3A_215 : i32
      %swap3A_217 = arith.index_cast %add3A_216 : i32 to index
      %swap3A_218 = arith.constant 0 : index
      %swap3A_219 = tpu.vector_load %arg7[%swap3A_217, %swap3A_218] {strides = array<i32>} : memref<512x128xf32, #tpu.memory_space<vmem>>, vector<1x16xf32>,
      %swap3A_220 = vector.shape_cast %swap3A_219 : vector<1x16xf32> to vector<16xf32>
      %swap3A_221 = vector.shape_cast %get3A_29 : vector<16xf32> to vector<1x16xf32>
      tpu.vector_store %arg7[%swap3A_217, %swap3A_218], %swap3A_221 {strides = array<i32>} : memref<512x128xf32, #tpu.memory_space<vmem>>, vector<1x16xf32>,
      %add3A_222 = arith.constant 2 : i32
      %add3A_223 = arith.addi %add3A_187, %add3A_222 : i32
      %swap3A_224 = arith.index_cast %add3A_223 : i32 to index
      %swap3A_225 = arith.constant 16 : index
      %swap3A_226 = tpu.vector_load %arg7[%swap3A_224, %swap3A_225] {strides = array<i32>} : memref<512x128xf32, #tpu.memory_space<vmem>>, vector<1x16xf32>,
      %swap3A_227 = vector.shape_cast %swap3A_226 : vector<1x16xf32> to vector<16xf32>
      %swap3A_228 = vector.shape_cast %get3A_32 : vector<16xf32> to vector<1x16xf32>
      tpu.vector_store %arg7[%swap3A_224, %swap3A_225], %swap3A_228 {strides = array<i32>} : memref<512x128xf32, #tpu.memory_space<vmem>>, vector<1x16xf32>,
      %add3A_229 = arith.constant 3 : i32
      %add3A_230 = arith.addi %add3A_187, %add3A_229 : i32
      %swap3A_231 = arith.index_cast %add3A_230 : i32 to index
      %swap3A_232 = arith.constant 0 : index
      %swap3A_233 = tpu.vector_load %arg7[%swap3A_231, %swap3A_232] {strides = array<i32>} : memref<512x128xf32, #tpu.memory_space<vmem>>, vector<1x16xf32>,
      %swap3A_234 = vector.shape_cast %swap3A_233 : vector<1x16xf32> to vector<16xf32>
      %swap3A_235 = vector.shape_cast %get3A_29 : vector<16xf32> to vector<1x16xf32>
      tpu.vector_store %arg7[%swap3A_231, %swap3A_232], %swap3A_235 {strides = array<i32>} : memref<512x128xf32, #tpu.memory_space<vmem>>, vector<1x16xf32>,
      %add3A_236 = arith.constant 3 : i32
      %add3A_237 = arith.addi %add3A_187, %add3A_236 : i32
      %swap3A_238 = arith.index_cast %add3A_237 : i32 to index
      %swap3A_239 = arith.constant 16 : index
      %swap3A_240 = tpu.vector_load %arg7[%swap3A_238, %swap3A_239] {strides = array<i32>} : memref<512x128xf32, #tpu.memory_space<vmem>>, vector<1x16xf32>,
      %swap3A_241 = vector.shape_cast %swap3A_240 : vector<1x16xf32> to vector<16xf32>
      %swap3A_242 = vector.shape_cast %get3A_32 : vector<16xf32> to vector<1x16xf32>
      tpu.vector_store %arg7[%swap3A_238, %swap3A_239], %swap3A_242 {strides = array<i32>} : memref<512x128xf32, #tpu.memory_space<vmem>>, vector<1x16xf32>,
      %add3A_243 = arith.constant 4 : i32
      %add3A_244 = arith.addi %add3A_187, %add3A_243 : i32
      %swap3A_245 = arith.index_cast %add3A_244 : i32 to index
      %swap3A_246 = arith.constant 0 : index
      %swap3A_247 = tpu.vector_load %arg7[%swap3A_245, %swap3A_246] {strides = array<i32>} : memref<512x128xf32, #tpu.memory_space<vmem>>, vector<1x16xf32>,
      %swap3A_248 = vector.shape_cast %swap3A_247 : vector<1x16xf32> to vector<16xf32>
      %swap3A_249 = vector.shape_cast %get3A_29 : vector<16xf32> to vector<1x16xf32>
      tpu.vector_store %arg7[%swap3A_245, %swap3A_246], %swap3A_249 {strides = array<i32>} : memref<512x128xf32, #tpu.memory_space<vmem>>, vector<1x16xf32>,
      %add3A_250 = arith.constant 4 : i32
      %add3A_251 = arith.addi %add3A_187, %add3A_250 : i32
      %swap3A_252 = arith.index_cast %add3A_251 : i32 to index
      %swap3A_253 = arith.constant 16 : index
      %swap3A_254 = tpu.vector_load %arg7[%swap3A_252, %swap3A_253] {strides = array<i32>} : memref<512x128xf32, #tpu.memory_space<vmem>>, vector<1x16xf32>,
      %swap3A_255 = vector.shape_cast %swap3A_254 : vector<1x16xf32> to vector<16xf32>
      %swap3A_256 = vector.shape_cast %get3A_32 : vector<16xf32> to vector<1x16xf32>
      tpu.vector_store %arg7[%swap3A_252, %swap3A_253], %swap3A_256 {strides = array<i32>} : memref<512x128xf32, #tpu.memory_space<vmem>>, vector<1x16xf32>,
      %add3A_257 = arith.constant 5 : i32
      %add3A_258 = arith.addi %add3A_187, %add3A_257 : i32
      %swap3A_259 = arith.index_cast %add3A_258 : i32 to index
      %swap3A_260 = arith.constant 0 : index
      %swap3A_261 = tpu.vector_load %arg7[%swap3A_259, %swap3A_260] {strides = array<i32>} : memref<512x128xf32, #tpu.memory_space<vmem>>, vector<1x16xf32>,
      %swap3A_262 = vector.shape_cast %swap3A_261 : vector<1x16xf32> to vector<16xf32>
      %swap3A_263 = vector.shape_cast %get3A_29 : vector<16xf32> to vector<1x16xf32>
      tpu.vector_store %arg7[%swap3A_259, %swap3A_260], %swap3A_263 {strides = array<i32>} : memref<512x128xf32, #tpu.memory_space<vmem>>, vector<1x16xf32>,
      %add3A_264 = arith.constant 5 : i32
      %add3A_265 = arith.addi %add3A_187, %add3A_264 : i32
      %swap3A_266 = arith.index_cast %add3A_265 : i32 to index
      %swap3A_267 = arith.constant 16 : index
      %swap3A_268 = tpu.vector_load %arg7[%swap3A_266, %swap3A_267] {strides = array<i32>} : memref<512x128xf32, #tpu.memory_space<vmem>>, vector<1x16xf32>,
      %swap3A_269 = vector.shape_cast %swap3A_268 : vector<1x16xf32> to vector<16xf32>
      %swap3A_270 = vector.shape_cast %get3A_32 : vector<16xf32> to vector<1x16xf32>
      tpu.vector_store %arg7[%swap3A_266, %swap3A_267], %swap3A_270 {strides = array<i32>} : memref<512x128xf32, #tpu.memory_space<vmem>>, vector<1x16xf32>,
      %add3A_271 = arith.constant 6 : i32
      %add3A_272 = arith.addi %add3A_187, %add3A_271 : i32
      %swap3A_273 = arith.index_cast %add3A_272 : i32 to index
      %swap3A_274 = arith.constant 0 : index
      %swap3A_275 = tpu.vector_load %arg7[%swap3A_273, %swap3A_274] {strides = array<i32>} : memref<512x128xf32, #tpu.memory_space<vmem>>, vector<1x16xf32>,
      %swap3A_276 = vector.shape_cast %swap3A_275 : vector<1x16xf32> to vector<16xf32>
      %swap3A_277 = vector.shape_cast %get3A_29 : vector<16xf32> to vector<1x16xf32>
      tpu.vector_store %arg7[%swap3A_273, %swap3A_274], %swap3A_277 {strides = array<i32>} : memref<512x128xf32, #tpu.memory_space<vmem>>, vector<1x16xf32>,
      %add3A_278 = arith.constant 6 : i32
      %add3A_279 = arith.addi %add3A_187, %add3A_278 : i32
      %swap3A_280 = arith.index_cast %add3A_279 : i32 to index
      %swap3A_281 = arith.constant 16 : index
      %swap3A_282 = tpu.vector_load %arg7[%swap3A_280, %swap3A_281] {strides = array<i32>} : memref<512x128xf32, #tpu.memory_space<vmem>>, vector<1x16xf32>,
      %swap3A_283 = vector.shape_cast %swap3A_282 : vector<1x16xf32> to vector<16xf32>
      %swap3A_284 = vector.shape_cast %get3A_32 : vector<16xf32> to vector<1x16xf32>
      tpu.vector_store %arg7[%swap3A_280, %swap3A_281], %swap3A_284 {strides = array<i32>} : memref<512x128xf32, #tpu.memory_space<vmem>>, vector<1x16xf32>,
      %add3A_285 = arith.constant 7 : i32
      %add3A_286 = arith.addi %add3A_187, %add3A_285 : i32
      %swap3A_287 = arith.index_cast %add3A_286 : i32 to index
      %swap3A_288 = arith.constant 0 : index
      %swap3A_289 = tpu.vector_load %arg7[%swap3A_287, %swap3A_288] {strides = array<i32>} : memref<512x128xf32, #tpu.memory_space<vmem>>, vector<1x16xf32>,
      %swap3A_290 = vector.shape_cast %swap3A_289 : vector<1x16xf32> to vector<16xf32>
      %swap3A_291 = vector.shape_cast %get3A_29 : vector<16xf32> to vector<1x16xf32>
      tpu.vector_store %arg7[%swap3A_287, %swap3A_288], %swap3A_291 {strides = array<i32>} : memref<512x128xf32, #tpu.memory_space<vmem>>, vector<1x16xf32>,
      %add3A_292 = arith.constant 7 : i32
      %add3A_293 = arith.addi %add3A_187, %add3A_292 : i32
      %swap3A_294 = arith.index_cast %add3A_293 : i32 to index
      %swap3A_295 = arith.constant 16 : index
      %swap3A_296 = tpu.vector_load %arg7[%swap3A_294, %swap3A_295] {strides = array<i32>} : memref<512x128xf32, #tpu.memory_space<vmem>>, vector<1x16xf32>,
      %swap3A_297 = vector.shape_cast %swap3A_296 : vector<1x16xf32> to vector<16xf32>
      %swap3A_298 = vector.shape_cast %get3A_32 : vector<16xf32> to vector<1x16xf32>
      tpu.vector_store %arg7[%swap3A_294, %swap3A_295], %swap3A_298 {strides = array<i32>} : memref<512x128xf32, #tpu.memory_space<vmem>>, vector<1x16xf32>,
    }
    %scan3A_130 = arith.constant 16 : i32
    %add3A_131 = arith.constant 384 : i32
    %add3A_132 = arith.addi %mul3A_2, %add3A_131 : i32
    %dma_start3A_133 = arith.constant 384 : i32
    %dma_start3A_134 = arith.constant 0 : i32
    %dma_start3A_135 = tpu.memref_slice %arg7[%dma_start3A_133, %dma_start3A_134] : memref<512x128xf32, #tpu.memory_space<vmem>> -> memref<128x128xf32, #tpu.memory_space<vmem>>
    %dma_start3A_136 = arith.constant 0 : i32
    %dma_start3A_137 = tpu.memref_slice %arg5[%add3A_132, %dma_start3A_136] : memref<16384x128xf32, #tpu.memory_space<hbm>> -> memref<128x128xf32, #tpu.memory_space<hbm>>
    %dma_start3A_138 = arith.constant 0 : i32
    %dma_start3A_139 = tpu.memref_slice %arg5[%add3A_132, %dma_start3A_138] : memref<16384x128xf32, #tpu.memory_space<hbm>> -> memref<128x128xf32, #tpu.memory_space<hbm>>
    %dma_start3A_140 = arith.constant 384 : i32
    %dma_start3A_141 = arith.constant 0 : i32
    %dma_start3A_142 = tpu.memref_slice %arg7[%dma_start3A_140, %dma_start3A_141] : memref<512x128xf32, #tpu.memory_space<vmem>> -> memref<128x128xf32, #tpu.memory_space<vmem>>
    tpu.enqueue_dma source(%dma_start3A_142 : memref<128x128xf32, #tpu.memory_space<vmem>>) target(%dma_start3A_139 : memref<128x128xf32, #tpu.memory_space<hbm>>) target_semaphore(%arg13 : memref<!tpu.dma_semaphore, #tpu.memory_space<semaphore_mem>>)
    %dma_wait3A_143 = arith.constant 0 : i32
    %dma_wait3A_144 = arith.constant 0 : i32
    %dma_wait3A_145 = tpu.memref_slice %arg7[%dma_wait3A_143, %dma_wait3A_144] : memref<512x128xf32, #tpu.memory_space<vmem>> -> memref<128x128xf32, #tpu.memory_space<vmem>>
    %dma_wait3A_146 = arith.constant 0 : i32
    %dma_wait3A_147 = tpu.memref_slice %arg5[%add3A_46, %dma_wait3A_146] : memref<16384x128xf32, #tpu.memory_space<hbm>> -> memref<128x128xf32, #tpu.memory_space<hbm>>
    %dma_wait3A_148 = arith.constant 0 : i32
    %dma_wait3A_149 = tpu.memref_slice %arg5[%add3A_46, %dma_wait3A_148] : memref<16384x128xf32, #tpu.memory_space<hbm>> -> memref<128x128xf32, #tpu.memory_space<hbm>>
    %dma_wait3A_150 = arith.constant 0 : i32
    %dma_wait3A_151 = arith.constant 0 : i32
    %dma_wait3A_152 = tpu.memref_slice %arg7[%dma_wait3A_150, %dma_wait3A_151] : memref<512x128xf32, #tpu.memory_space<vmem>> -> memref<128x128xf32, #tpu.memory_space<vmem>>
    tpu.wait_dma2 semaphore(%arg13 : memref<!tpu.dma_semaphore, #tpu.memory_space<semaphore_mem>>) src(%dma_wait3A_152 : memref<128x128xf32, #tpu.memory_space<vmem>>) dst(%dma_wait3A_149 : memref<128x128xf32, #tpu.memory_space<hbm>>)
    %dma_wait3A_153 = arith.constant 128 : i32
    %dma_wait3A_154 = arith.constant 0 : i32
    %dma_wait3A_155 = tpu.memref_slice %arg7[%dma_wait3A_153, %dma_wait3A_154] : memref<512x128xf32, #tpu.memory_space<vmem>> -> memref<128x128xf32, #tpu.memory_space<vmem>>
    %dma_wait3A_156 = arith.constant 0 : i32
    %dma_wait3A_157 = tpu.memref_slice %arg5[%add3A_80, %dma_wait3A_156] : memref<16384x128xf32, #tpu.memory_space<hbm>> -> memref<128x128xf32, #tpu.memory_space<hbm>>
    %dma_wait3A_158 = arith.constant 0 : i32
    %dma_wait3A_159 = tpu.memref_slice %arg5[%add3A_80, %dma_wait3A_158] : memref<16384x128xf32, #tpu.memory_space<hbm>> -> memref<128x128xf32, #tpu.memory_space<hbm>>
    %dma_wait3A_160 = arith.constant 128 : i32
    %dma_wait3A_161 = arith.constant 0 : i32
    %dma_wait3A_162 = tpu.memref_slice %arg7[%dma_wait3A_160, %dma_wait3A_161] : memref<512x128xf32, #tpu.memory_space<vmem>> -> memref<128x128xf32, #tpu.memory_space<vmem>>
    tpu.wait_dma2 semaphore(%arg13 : memref<!tpu.dma_semaphore, #tpu.memory_space<semaphore_mem>>) src(%dma_wait3A_162 : memref<128x128xf32, #tpu.memory_space<vmem>>) dst(%dma_wait3A_159 : memref<128x128xf32, #tpu.memory_space<hbm>>)
    %dma_wait3A_163 = arith.constant 256 : i32
    %dma_wait3A_164 = arith.constant 0 : i32
    %dma_wait3A_165 = tpu.memref_slice %arg7[%dma_wait3A_163, %dma_wait3A_164] : memref<512x128xf32, #tpu.memory_space<vmem>> -> memref<128x128xf32, #tpu.memory_space<vmem>>
    %dma_wait3A_166 = arith.constant 0 : i32
    %dma_wait3A_167 = tpu.memref_slice %arg5[%add3A_106, %dma_wait3A_166] : memref<16384x128xf32, #tpu.memory_space<hbm>> -> memref<128x128xf32, #tpu.memory_space<hbm>>
    %dma_wait3A_168 = arith.constant 0 : i32
    %dma_wait3A_169 = tpu.memref_slice %arg5[%add3A_106, %dma_wait3A_168] : memref<16384x128xf32, #tpu.memory_space<hbm>> -> memref<128x128xf32, #tpu.memory_space<hbm>>
    %dma_wait3A_170 = arith.constant 256 : i32
    %dma_wait3A_171 = arith.constant 0 : i32
    %dma_wait3A_172 = tpu.memref_slice %arg7[%dma_wait3A_170, %dma_wait3A_171] : memref<512x128xf32, #tpu.memory_space<vmem>> -> memref<128x128xf32, #tpu.memory_space<vmem>>
    tpu.wait_dma2 semaphore(%arg13 : memref<!tpu.dma_semaphore, #tpu.memory_space<semaphore_mem>>) src(%dma_wait3A_172 : memref<128x128xf32, #tpu.memory_space<vmem>>) dst(%dma_wait3A_169 : memref<128x128xf32, #tpu.memory_space<hbm>>)
    %dma_wait3A_173 = arith.constant 384 : i32
    %dma_wait3A_174 = arith.constant 0 : i32
    %dma_wait3A_175 = tpu.memref_slice %arg7[%dma_wait3A_173, %dma_wait3A_174] : memref<512x128xf32, #tpu.memory_space<vmem>> -> memref<128x128xf32, #tpu.memory_space<vmem>>
    %dma_wait3A_176 = arith.constant 0 : i32
    %dma_wait3A_177 = tpu.memref_slice %arg5[%add3A_132, %dma_wait3A_176] : memref<16384x128xf32, #tpu.memory_space<hbm>> -> memref<128x128xf32, #tpu.memory_space<hbm>>
    %dma_wait3A_178 = arith.constant 0 : i32
    %dma_wait3A_179 = tpu.memref_slice %arg5[%add3A_132, %dma_wait3A_178] : memref<16384x128xf32, #tpu.memory_space<hbm>> -> memref<128x128xf32, #tpu.memory_space<hbm>>
    %dma_wait3A_180 = arith.constant 384 : i32
    %dma_wait3A_181 = arith.constant 0 : i32
    %dma_wait3A_182 = tpu.memref_slice %arg7[%dma_wait3A_180, %dma_wait3A_181] : memref<512x128xf32, #tpu.memory_space<vmem>> -> memref<128x128xf32, #tpu.memory_space<vmem>>
    tpu.wait_dma2 semaphore(%arg13 : memref<!tpu.dma_semaphore, #tpu.memory_space<semaphore_mem>>) src(%dma_wait3A_182 : memref<128x128xf32, #tpu.memory_space<vmem>>) dst(%dma_wait3A_179 : memref<128x128xf32, #tpu.memory_space<hbm>>)
    return
  }
}

</mosaic_0001>

<sc_bundles>
// kernel: kernel.3.cloned.1.call-start
scs
__scs_entry_jumppad:
0x0: {  	(pc) =	sbr.rel $0x88, $3  }
0x1: {  	(tag) =	ssettag $0x0;
	lr =	simm.s32 $0x1  }
0x2: {  	[smem:$0x3F9E] =	sst lr;
	_ =	strace $0xD0000000  }
0x3: {  	_ = 	snop  }
0x4: {  	_ = 	snop  }
0x5: {  	_ = 	snop  }
0x6: {  	_ = 	snop  }
0x7: {  	_ = 	snop  }
__scs_overlays_trampoline_lowered:
0x8: {  	[smem:$0x3FAD] =	sst s0  }
0x9: {  	[smem:$0x3FAE] =	sst s1  }
0xa: {  	[smem:$0x3FAF] =	sst s2  }
0xb: {  	[smem:$0x3FB0] =	sst s3  }
0xc: {  	[smem:$0x3FB1] =	sst s4  }
0xd: {  	[smem:$0x3FB2] =	sst s5  }
0xe: {  	[smem:$0x3FB3] =	sst s6  }
0xf: {  	[smem:$0x3FB4] =	sst s7  }
0x10: {  	[smem:$0x3FB5] =	sst s8  }
0x11: {  	[smem:$0x3FB6] =	sst s9;
	s0 =	simm.s32 @!p0 $0x0  }
0x12: {  	s1 =	sld [smem:$0x3F9C];
	s0 =	simm.s32 @p0 $0x1  }
0x13: {  	[smem:$0x3FB7] =	sst s0;
	s0 =	simm.s32 @!p1 $0x0  }
0x14: {  	s2 =	sld [smem:$0x3F9B];
	s0 =	simm.s32 @p1 $0x1  }
0x15: {  	[smem:$0x3FB8] =	sst s0;
	s0 =	simm.s32 @!p2 $0x0  }
0x16: {  	s3 =	sld [smem:$0x3FDB];
	s0 =	simm.s32 @p2 $0x1  }
0x17: {  	s4 =	simm.s32 $0x1BF5;
	[smem:$0x3FBA] =	sst s0  }
0x18: {  	s0 =	sld [smem:$0x3F9D];
	_ =	swait.ge [sflag:s4], $0x0  }
0x19: {  	s7 =	sld [smem:$0x3F9E]  }
0x1a: {  	s8 =	sadd.s32 $0xFFFFE003, lr  }
0x1b: {  	s9 =	sadd.s32 $0xFFFFFEF7, lr;
	s5 =	simm.s32 $0xFFFFFFFF;
	p2 =	slt.u32 s8, $0xFFFFF086  }
0x1c: {  	p1 =	slt.u32 s9, $0xF7A;
	s5 =	simm.s32 @!p2 $0x0  }
0x1d: {  	s5 =	simm.s32 @p1 $0x1;
	p0 =	seq.s32 s7, s2  }
0x1e: {  	s7 =	smul.u32 @!p0 $0xF7A, s2;
	p2 =	seq.s32 @!p0 s5, $0x0  }
0x1f: {  	s9 =	smul.u32 $0xF7A, s1;
	s8 =	simm.s32 @!p0 $0x1BF5;
	p2 =	por !p2, p0  }
0x20: {  	[sflag:s8] =	ssyncset.s32 @!p0 $0xFFFFF086;
	s6 =	sadd.s32 @!p0 s3, s7;
	s7 =	simm.s32 @!p0 $0x108  }
0x21: {  	s3 =	sadd.s32 s3, s9;
	s6 =	sadd.s32 @!p0 $0x88, s6;
	s7 =	simm.s32 @p2 $0x1082  }
0x22: {  	[simem:s7], [sflag:s8] =	dma.local @!p0 [hbm:s6], $0xF7A  }
0x23: {  	s9 =	sor.u32 $0xD0000000, s2;
	s6 =	simm.s32 $0x108;
	_ =	swait.ge @!p0 [sflag:s8], $0x0  }
0x24: {  	s3 =	sadd.s32 $0x88, s3;
	s6 =	simm.s32 @!p1 $0x1082;
	[sflag:s4] =	ssyncset.s32 $0xFFFFF086  }
0x25: {  	[simem:s6], [sflag:s4] =	dma.local [hbm:s3], $0xF7A  }
0x26: {  	[smem:$0x3F9E] =	sst s1;
	(tag) =	ssettag s2;
	_ =	strace s9  }
0x27: {  	s1 =	sld [smem:$0x3FAE]  }
0x28: {  	s2 =	sld [smem:$0x3FAF]  }
0x29: {  	s4 =	sld [smem:$0x3FB1]  }
0x2a: {  	p0 =	seq.s32 s5, $0x0;
	s5 =	sld [smem:$0x3FB2]  }
0x2b: {  	s6 =	sld [smem:$0x3FB3]  }
0x2c: {  	s7 =	sld [smem:$0x3FB4]  }
0x2d: {  	s3 =	simm.s32 $0x108;
	s8 =	sld [smem:$0x3FB5]  }
0x2e: {  	s3 =	simm.s32 @!p0 $0x1082;
	s9 =	sld [smem:$0x3FB6]  }
0x2f: {  	lr =	sadd.s32 s0, s3;
	s0 =	sld [smem:$0x3FAD]  }
0x30: {  	s3 =	sld [smem:$0x3FB0]  }
0x31: {  	[smem:$0x3FB9] =	sst s10  }
0x32: {  	s10 =	sld [smem:$0x3FB7];
	_ =	sdelay $0x3  }
0x33: {  	p0 =	seq.s32 s10, $0x1;
	s10 =	sld [smem:$0x3FB9];
	_ =	sdelay $0x3  }
0x34: {  	[smem:$0x3FB9] =	sst s10  }
0x35: {  	s10 =	sld [smem:$0x3FB8];
	_ =	sdelay $0x3  }
0x36: {  	p1 =	seq.s32 s10, $0x1;
	s10 =	sld [smem:$0x3FB9];
	_ =	sdelay $0x3  }
0x37: {  	[smem:$0x3FB9] =	sst s10  }
0x38: {  	s10 =	sld [smem:$0x3FBA]  }
0x39: {  	_ = 	snop;
	(pc) =	sbr.ind lr, $3  }
0x3a: {  	_ = 	snop  }
0x3b: {  	_ = 	snop  }
0x3c: {  	p2 =	seq.s32 s10, $0x1;
	s10 =	sld [smem:$0x3FB9]  }
0x3d: {  	_ =	shalt  }
0x3e: {  	_ =	shalt  }
0x3f: {  	_ =	shalt  }
0x40: {  	_ =	shalt  }
0x41: {  	_ =	shalt  }
0x42: {  	_ =	shalt  }
0x43: {  	_ =	shalt  }
0x44: {  	_ =	shalt  }
0x45: {  	_ =	shalt  }
0x46: {  	_ =	shalt  }
0x47: {  	_ =	shalt  }
0x48: {  	_ =	shalt  }
0x49: {  	_ =	shalt  }
0x4a: {  	_ =	shalt  }
0x4b: {  	_ =	shalt  }
0x4c: {  	_ =	shalt  }
0x4d: {  	_ =	shalt  }
0x4e: {  	_ =	shalt  }
0x4f: {  	_ =	shalt  }
0x50: {  	_ =	shalt  }
0x51: {  	_ =	shalt  }
0x52: {  	_ =	shalt  }
0x53: {  	_ =	shalt  }
0x54: {  	_ =	shalt  }
0x55: {  	_ =	shalt  }
0x56: {  	_ =	shalt  }
0x57: {  	_ =	shalt  }
0x58: {  	_ =	shalt  }
0x59: {  	_ =	shalt  }
0x5a: {  	_ =	shalt  }
0x5b: {  	_ =	shalt  }
0x5c: {  	_ =	shalt  }
0x5d: {  	_ =	shalt  }
0x5e: {  	_ =	shalt  }
0x5f: {  	_ =	shalt  }
0x60: {  	_ =	shalt  }
0x61: {  	_ =	shalt  }
0x62: {  	_ =	shalt  }
0x63: {  	_ =	shalt  }
0x64: {  	_ =	shalt  }
0x65: {  	_ =	shalt  }
0x66: {  	_ =	shalt  }
0x67: {  	_ =	shalt  }
0x68: {  	_ =	shalt  }
0x69: {  	_ =	shalt  }
0x6a: {  	_ =	shalt  }
0x6b: {  	_ =	shalt  }
0x6c: {  	_ =	shalt  }
0x6d: {  	_ =	shalt  }
0x6e: {  	_ =	shalt  }
0x6f: {  	_ =	shalt  }
0x70: {  	_ =	shalt  }
0x71: {  	_ =	shalt  }
0x72: {  	_ =	shalt  }
0x73: {  	_ =	shalt  }
0x74: {  	_ =	shalt  }
0x75: {  	_ =	shalt  }
0x76: {  	_ =	shalt  }
0x77: {  	_ =	shalt  }
0x78: {  	_ =	shalt  }
0x79: {  	_ =	shalt  }
0x7a: {  	_ =	shalt  }
0x7b: {  	_ =	shalt  }
0x7c: {  	_ =	shalt  }
0x7d: {  	_ =	shalt  }
0x7e: {  	_ =	shalt  }
0x7f: {  	_ =	shalt  }
0x80: {  	_ =	shalt  }
0x81: {  	_ =	shalt  }
0x82: {  	_ =	shalt  }
0x83: {  	_ =	shalt  }
0x84: {  	_ =	shalt  }
0x85: {  	_ =	shalt  }
0x86: {  	_ =	shalt  }
0x87: {  	_ =	shalt  }
.Lfunc_end0:
.L_simem_size_0:
called_computation_lowered:
.L_overlay_start_0:
0x88: {  	s2 =	sld [smem:$0x3FD9]  }
0x89: {  	s3 =	sld [smem:$0x3FFE];
	_ =	sdelay $0x1  }
0x8a: {  	s1 =	srdreg.scid  }
0x8b: {  	s0 =	sand.u32 $0x1, s1  }
0x8c: {  	s18 =	sshll.u32 s0, $0xA;
	s2 =	sadd.s32 s3, s2  }
0x8d: {  	s2 =	sadd.s32 s2, s18  }
0x8e: {  	[smem:$0x3FC5] =	sst s2  }
0x8f: {  	_ = 	snop  }
0x90: {  	s2 =	sld [smem:$0x3FC9]  }
0x91: {  	s19 =	sld [smem:$0x3FC8]  }
0x92: {  	s4 =	sld [smem:$0x3FC7]  }
0x93: {  	s5 =	sld [smem:$0x3FD0];
	(tm) =	ssettm $0x1  }
0x94: {  	s6 =	sld [smem:$0x3FFB];
	_ =	sdelay $0x3  }
0x95: {  	_ =	strace s6  }
0x96: {  	s6 =	sld [smem:$0x3FFC];
	_ =	sdelay $0x3  }
0x97: {  	_ =	strace s6  }
0x98: {  	s6 =	sld [smem:$0x3FFD];
	_ =	sdelay $0x3  }
0x99: {  	_ =	strace s6  }
0x9a: {  	_ =	strace $0x8FFFFFFF  }
0x9b: {  	s20 =	sld [smem:$0x3FDB];
	_ =	sdelay $0x1  }
0x9c: {  	s7 =	simm.s32 $_scs_section_size  }
0x9d: {  	s8 =	simm.s32 $_size__tile_overlayer_lowered;
	s9 =	simm.s32 $_tile_overlayer_lowered  }
0x9e: {  	s23 =	simm.s32 $0x1BFF;
	s22 =	sshll.u32 s9, $0x1;
	s6 =	sadd.s32 s7, s20  }
0x9f: {  	s10 =	simm.s32 $0x0;
	s21 =	sshll.u32 s8, $0x1;
	s8 =	sadd.s32 s22, s6  }
0xa0: {  	[timem:s10], [sflag:s23] =	dma.local [hbm:s8], s21  }
0xa1: {  	_ =	swait.ge [sflag:s23], s21  }
0xa2: {  	s7 =	ssub.s32 $0x0, s21;
	[sflag:s23] =	ssyncset.done $0x0  }
0xa3: {  	[sflag:s23] =	ssyncadd.s32 s7;
	_ =	sdelay $0x1  }
0xa4: {  	s24 =	simm.s32 $0x1B8B  }
0xa5: {  	_ =	swait.ge [sflag:s24], $0x1  }
0xa6: {  	[sflag:s24] =	ssyncset.done $0x0  }
0xa7: {  	s25 =	simm.s32 $0x1B8E;
	[sflag:s24] =	ssyncadd.s32 $0xFFFFFFFF  }
0xa8: {  	s26 =	simm.s32 $execute0_lowered;
	[smem:$0x3FD2] =	sst s25  }
0xa9: {  	s7 =	sshll.u32 s26, $0x1;
	_ =	strace $0x80000046;
	[dreg:$0x1] =	wrdreg $0xFFFFFFFF  }
0xaa: {  	s28 =	simm.s32 $_size_execute0_lowered;
	s6 =	sadd.s32 s6, s7;
	[dreg:$0x0] =	wrdreg $0x0  }
0xab: {  	s7 =	sshll.u32 s28, $0x1;
	[dreg:$0x2] =	wrdreg s6  }
0xac: {  	[dreg:$0x3] =	wrdreg s7  }
0xad: {  	[dreg:$0x4] =	wrdreg $0xC0  }
0xae: {  	_ =	task [dreg:s10], $0x5FFFF  }
0xaf: {  	[dreg:$0x1] =	wrdreg $0xFFFFFFFF  }
0xb0: {  	[dreg:$0x0] =	wrdreg $0x60  }
0xb1: {  	[dreg:$0x2] =	wrdreg s2  }
0xb2: {  	[dreg:$0x3] =	wrdreg s19  }
0xb3: {  	[dreg:$0x4] =	wrdreg s4  }
0xb4: {  	[dreg:$0x5] =	wrdreg s5  }
0xb5: {  	[dreg:$0x6] =	wrdreg $0x9  }
0xb6: {  	_ =	task.clear_ibuf [dreg:s10], $0x7FFFF;
	_ =	strace $0x90000046  }
0xb7: {  	s29 =	simm.s32 $0x9;
	_ =	strace $0x80000048  }
0xb8: {  	_ =	swait.ge [sflag:s29], $0x1  }
0xb9: {  	[sflag:s29] =	ssyncadd.s32 $0xFFFFFFFF  }
0xba: {  	_ =	strace $0x90000048  }
0xbb: {  	_ =	sfence  }
0xbc: {  	s30 =	sld [smem:$0x0];
	_ =	sdelay $0x2  }
0xbd: {  	s31 =	sshll.u32 s1, $0xD;
	s1 =	sshrl.u32 s1, $0x2  }
0xbe: {  	s3 =	sand.u32 $0x4000, s31;
	s1 =	sadd.s32 s1, s30  }
0xbf: {  	s0 =	sor.u32 s3, s0;
	s1 =	sshll.u32 s1, $0x11  }
0xc0: {  	s0 =	sor.u32 s1, s0  }
0xc1: {  	s0 =	sadd.s32 $0x8F2B, s0  }
0xc2: {  	[sflag:s0] =	ssyncadd.remote.s32 $0x1  }
0xc3: {  	_ =	sfence.sel $0xFFFF  }
0xc4: {  	[dreg:$0x0] =	wrdreg $0xFFFFFFFF;
	(pc) =	sbr.abs _section_cstart, $3  }
0xc5: {  	[dreg:$0x1] =	wrdreg $0xFFFFFFFF  }
0xc6: {  	_ =	task.clear_ibuf [dreg:s10], $0x2FFFF;
	_ =	strace $0x9FFFFFFF  }
0xc7: {  	(tm) =	ssettm $0x7FFFFFFF  }
tec
execute0_lowered:
.L_overlay_start_1:
0x0: {  	(tag) =	ssettag $0x1  }
0x1: {  	s7 =	rddreg [dreg:$0x0]  }
0x2: {  	s1 =	rddreg [dreg:$0x1]  }
0x3: {  	s2 =	rddreg [dreg:$0x2]  }
0x4: {  	s8 =	rddreg [dreg:$0x3]  }
0x5: {  	s0 =	rddreg [dreg:$0x4];
	s5 =	srdreg.scid  }
0x6: {  	s4 =	simm.s32 $0x0;
	s3 =	stileid.u32;
	s12 =	simm.s32 $0x10200  }
0x7: {  	s13 =	simm.s32 $0x7;
	s14 =	simm.s32 $0x80;
	s15 =	simm.s32 $0x200  }
0x8: {  	s16 =	simm.s32 $0x4200;
	s17 =	simm.s32 $0x100;
	s18 =	simm.s32 $0x8200  }
0x9: {  	s19 =	simm.s32 $0x6;
	s20 =	simm.s32 $0x1;
	s21 =	simm.s32 $0x180  }
0xa: {  	s22 =	simm.s32 $0xC200;
	s23 =	simm.s32 $0x2;
	s24 =	simm.s32 $0x3  }
0xb: {  	s25 =	simm.s32 $0x4;
	s26 =	simm.s32 $0x5;
	s5 =	sand.u32 $0x1, s5  }
0xc: {  	s28 =	simm.s32 $0x0;
	s9 =	sshll.u32 s3, $0xA;
	s6 =	ssub.s32 $0x2, s5  }
0xd: {  	[smem:$0x7FF] =	sst s4;
	s5 =	sshll.u32 s5, $0x9;
	s10 =	sshrl.u32 s6, $0x1  }
0xe: {  	_ =	strace $0x80000047;
	s9 =	sor.u32 s5, s9;
	s11 =	ssub.s32 s6, s10  }
0xf: {  	s5 =	sshrl.u32 s9, $0x3;
	s29 =	sor.u32 $0x80, s9;
	s30 =	sshll.u32 s9, $0x4  }
0x10: {  	s5 =	sadd.s32 s7, s5;
	s31 =	sshrl.u32 s29, $0x3;
	s6 =	sadd.s32 s8, s30  }
0x11: {  	s10 =	sshll.u32 s29, $0x4;
	s11 =	smax.u32 s11, $0x1;
	s7 =	sadd.s32 s7, s31  }
0x12: {  	s8 =	sadd.s32 s8, s10;
	s9 =	sadd.s32 $0x1000, s6;
	s10 =	sadd.s32 $0x1800, s6  }
.LBB2_1:
0x13: {  	[tilespmem:s12], [sflag:$0x6] =	stream.linear.gather [hbm4b:s2+s4], $0x80, $0x38;
	[tilespmem:$0x10280] =	vst v63  }
0x14: {  	_ = 	snop  }
0x15: {  	[tilespmem:s4], [sflag:$0x7] =	stream.linear.gather [hbm4b:s5+s4], $0x80, $0x38;
	[tilespmem:$0x10280] =	vst v63  }
0x16: {  	_ =	swait.ge [sflag:s13], $0x80  }
0x17: {  	[sflag:s13] =	ssyncset.done $0x0  }
0x18: {  	[sflag:s13] =	ssyncadd.s32 $0xFFFFFF80  }
0x19: {  	[tilespmem:s15], [sflag:$0x1] =	stream.indirect.gather [hbm4b:s1+s14], $0x80, s4, s14, $0xb8;
	[tilespmem:$0x10280] =	vst v63  }
0x1a: {  	_ = 	snop  }
0x1b: {  	[tilespmem:s14], [sflag:$0x7] =	stream.linear.gather [hbm4b:s7+s4], $0x180, $0x38;
	[tilespmem:$0x10280] =	vst v63  }
0x1c: {  	_ =	swait.ge [sflag:s13], $0x180  }
0x1d: {  	[sflag:s13] =	ssyncset.done $0x0  }
0x1e: {  	[sflag:s13] =	ssyncadd.s32 $0xFFFFFE80  }
0x1f: {  	[tilespmem:s16], [sflag:$0x2] =	stream.indirect.gather [hbm4b:s1+s14], $0x80, s14, s14, $0xb8;
	[tilespmem:$0x10280] =	vst v63  }
0x20: {  	_ = 	snop  }
0x21: {  	[tilespmem:s18], [sflag:$0x3] =	stream.indirect.gather [hbm4b:s1+s14], $0x80, s17, s14, $0xb8;
	[tilespmem:$0x10280] =	vst v63  }
0x22: {  	_ =	swait.ge [sflag:s19], $0x80  }
0x23: {  	[sflag:s19] =	ssyncset.done $0x0  }
0x24: {  	[sflag:s19] =	ssyncadd.s32 $0xFFFFFF80  }
0x25: {  	v1 =	vld [tilespmem:$0x10210]  }
0x26: {  	v0 =	vld [tilespmem:$0x10200]  }
0x27: {  	_ =	swait.ge [sflag:s20], $0x4000  }
0x28: {  	[sflag:s20] =	ssyncset.done $0x0  }
0x29: {  	s29 =	simm.s32 $0x0;
	s30 =	simm.s32 $0x1000;
	[sflag:s20] =	ssyncadd.s32 $0xFFFFC000  }
.LBB2_2:
0x2a: {  	p0 =	sne.s32 s30, $0xF000;
	[tilespmem:s29+$0x590] =	vst v1  }
0x2b: {  	[tilespmem:s29+$0x200] =	vst v0  }
0x2c: {  	[tilespmem:s29+$0x210] =	vst v1  }
0x2d: {  	[tilespmem:s29+$0x280] =	vst v0  }
0x2e: {  	[tilespmem:s29+$0x290] =	vst v1  }
0x2f: {  	[tilespmem:s29+$0x300] =	vst v0  }
0x30: {  	[tilespmem:s29+$0x310] =	vst v1  }
0x31: {  	[tilespmem:s29+$0x380] =	vst v0  }
0x32: {  	[tilespmem:s29+$0x390] =	vst v1  }
0x33: {  	[tilespmem:s29+$0x400] =	vst v0  }
0x34: {  	[tilespmem:s29+$0x410] =	vst v1  }
.Ltmp0:
0x35: {  	[tilespmem:s29+$0x480] =	vst v0;
	(pc) =	sbr.rel @p0 .LBB2_2-.Ltmp0, $4  }
0x36: {  	[tilespmem:s29+$0x490] =	vst v1  }
0x37: {  	[tilespmem:s29+$0x500] =	vst v0  }
0x38: {  	[tilespmem:s29+$0x510] =	vst v1  }
0x39: {  	[tilespmem:s29+$0x580] =	vst v0;
	s29 =	sshra.s32 s30, $0x2;
	s30 =	sadd.s32 $0x1000, s30  }
0x3a: {  	[tilespmem:s29+$0x590] =	vst v1  }
0x3b: {  	[tilespmem:s29+$0x200] =	vst v0  }
0x3c: {  	[tilespmem:s29+$0x210] =	vst v1  }
0x3d: {  	[tilespmem:s29+$0x280] =	vst v0  }
0x3e: {  	[tilespmem:s29+$0x290] =	vst v1  }
0x3f: {  	[tilespmem:s29+$0x300] =	vst v0  }
0x40: {  	[tilespmem:s29+$0x310] =	vst v1  }
0x41: {  	[tilespmem:s29+$0x380] =	vst v0  }
0x42: {  	[tilespmem:s29+$0x390] =	vst v1  }
0x43: {  	[tilespmem:s29+$0x400] =	vst v0  }
0x44: {  	[tilespmem:s29+$0x410] =	vst v1  }
0x45: {  	[tilespmem:s29+$0x480] =	vst v0  }
0x46: {  	[tilespmem:s29+$0x490] =	vst v1  }
0x47: {  	[tilespmem:s29+$0x500] =	vst v0  }
0x48: {  	[tilespmem:s29+$0x510] =	vst v1  }
0x49: {  	[tilespmem:s29+$0x580] =	vst v0;
	s29 =	simm.s32 $0x0  }
0x4a: {  	[hbm4b:s6+s29] =	stream.linear.scatter [tilespmem:s15], [sflag:$0x5], $0x4000, $0x38;
	[tilespmem:$0x10280] =	vst v63  }
0x4b: {  	_ = 	snop  }
0x4c: {  	[tilespmem:s22], [sflag:$0x4] =	stream.indirect.gather [hbm4b:s1+s14], $0x80, s21, s14, $0xb8;
	[tilespmem:$0x10280] =	vst v63  }
0x4d: {  	_ =	swait.ge [sflag:s23], $0x4000  }
0x4e: {  	[sflag:s23] =	ssyncset.done $0x0  }
0x4f: {  	s30 =	simm.s32 $0x1000;
	s29 =	simm.s32 $0x0;
	[sflag:s23] =	ssyncadd.s32 $0xFFFFC000  }
.LBB2_4:
0x50: {  	p0 =	sne.s32 s30, $0xF000;
	[tilespmem:s29+$0x4590] =	vst v1  }
0x51: {  	[tilespmem:s29+$0x4200] =	vst v0  }
0x52: {  	[tilespmem:s29+$0x4210] =	vst v1  }
0x53: {  	[tilespmem:s29+$0x4280] =	vst v0  }
0x54: {  	[tilespmem:s29+$0x4290] =	vst v1  }
0x55: {  	[tilespmem:s29+$0x4300] =	vst v0  }
0x56: {  	[tilespmem:s29+$0x4310] =	vst v1  }
0x57: {  	[tilespmem:s29+$0x4380] =	vst v0  }
0x58: {  	[tilespmem:s29+$0x4390] =	vst v1  }
0x59: {  	[tilespmem:s29+$0x4400] =	vst v0  }
0x5a: {  	[tilespmem:s29+$0x4410] =	vst v1  }
.Ltmp1:
0x5b: {  	[tilespmem:s29+$0x4480] =	vst v0;
	(pc) =	sbr.rel @p0 .LBB2_4-.Ltmp1, $4  }
0x5c: {  	[tilespmem:s29+$0x4490] =	vst v1  }
0x5d: {  	[tilespmem:s29+$0x4500] =	vst v0  }
0x5e: {  	[tilespmem:s29+$0x4510] =	vst v1  }
0x5f: {  	[tilespmem:s29+$0x4580] =	vst v0;
	s29 =	sshra.s32 s30, $0x2;
	s30 =	sadd.s32 $0x1000, s30  }
0x60: {  	[tilespmem:s29+$0x4590] =	vst v1  }
0x61: {  	[tilespmem:s29+$0x4200] =	vst v0  }
0x62: {  	[tilespmem:s29+$0x4210] =	vst v1  }
0x63: {  	[tilespmem:s29+$0x4280] =	vst v0  }
0x64: {  	[tilespmem:s29+$0x4290] =	vst v1  }
0x65: {  	[tilespmem:s29+$0x4300] =	vst v0  }
0x66: {  	[tilespmem:s29+$0x4310] =	vst v1  }
0x67: {  	[tilespmem:s29+$0x4380] =	vst v0  }
0x68: {  	[tilespmem:s29+$0x4390] =	vst v1  }
0x69: {  	[tilespmem:s29+$0x4400] =	vst v0  }
0x6a: {  	[tilespmem:s29+$0x4410] =	vst v1  }
0x6b: {  	[tilespmem:s29+$0x4480] =	vst v0  }
0x6c: {  	[tilespmem:s29+$0x4490] =	vst v1  }
0x6d: {  	[tilespmem:s29+$0x4500] =	vst v0  }
0x6e: {  	[tilespmem:s29+$0x4510] =	vst v1  }
0x6f: {  	[tilespmem:s29+$0x4580] =	vst v0;
	s29 =	simm.s32 $0x0  }
0x70: {  	[hbm4b:s8+s29] =	stream.linear.scatter [tilespmem:s16], [sflag:$0x5], $0x4000, $0x38;
	[tilespmem:$0x10280] =	vst v63  }
0x71: {  	_ =	swait.ge [sflag:s24], $0x4000  }
0x72: {  	[sflag:s24] =	ssyncset.done $0x0  }
0x73: {  	s30 =	simm.s32 $0x1000;
	s29 =	simm.s32 $0x0;
	[sflag:s24] =	ssyncadd.s32 $0xFFFFC000  }
.LBB2_6:
0x74: {  	p0 =	sne.s32 s30, $0xF000;
	[tilespmem:s29+$0x8590] =	vst v1  }
0x75: {  	[tilespmem:s29+$0x8200] =	vst v0  }
0x76: {  	[tilespmem:s29+$0x8210] =	vst v1  }
0x77: {  	[tilespmem:s29+$0x8280] =	vst v0  }
0x78: {  	[tilespmem:s29+$0x8290] =	vst v1  }
0x79: {  	[tilespmem:s29+$0x8300] =	vst v0  }
0x7a: {  	[tilespmem:s29+$0x8310] =	vst v1  }
0x7b: {  	[tilespmem:s29+$0x8380] =	vst v0  }
0x7c: {  	[tilespmem:s29+$0x8390] =	vst v1  }
0x7d: {  	[tilespmem:s29+$0x8400] =	vst v0  }
0x7e: {  	[tilespmem:s29+$0x8410] =	vst v1  }
.Ltmp2:
0x7f: {  	[tilespmem:s29+$0x8480] =	vst v0;
	(pc) =	sbr.rel @p0 .LBB2_6-.Ltmp2, $4  }
0x80: {  	[tilespmem:s29+$0x8490] =	vst v1  }
0x81: {  	[tilespmem:s29+$0x8500] =	vst v0  }
0x82: {  	[tilespmem:s29+$0x8510] =	vst v1  }
0x83: {  	[tilespmem:s29+$0x8580] =	vst v0;
	s29 =	sshra.s32 s30, $0x2;
	s30 =	sadd.s32 $0x1000, s30  }
0x84: {  	[tilespmem:s29+$0x8590] =	vst v1  }
0x85: {  	[tilespmem:s29+$0x8200] =	vst v0  }
0x86: {  	[tilespmem:s29+$0x8210] =	vst v1  }
0x87: {  	[tilespmem:s29+$0x8280] =	vst v0  }
0x88: {  	[tilespmem:s29+$0x8290] =	vst v1  }
0x89: {  	[tilespmem:s29+$0x8300] =	vst v0  }
0x8a: {  	[tilespmem:s29+$0x8310] =	vst v1  }
0x8b: {  	[tilespmem:s29+$0x8380] =	vst v0  }
0x8c: {  	[tilespmem:s29+$0x8390] =	vst v1  }
0x8d: {  	[tilespmem:s29+$0x8400] =	vst v0  }
0x8e: {  	[tilespmem:s29+$0x8410] =	vst v1  }
0x8f: {  	[tilespmem:s29+$0x8480] =	vst v0  }
0x90: {  	[tilespmem:s29+$0x8490] =	vst v1  }
0x91: {  	[tilespmem:s29+$0x8500] =	vst v0  }
0x92: {  	[tilespmem:s29+$0x8510] =	vst v1  }
0x93: {  	[tilespmem:s29+$0x8580] =	vst v0;
	s29 =	simm.s32 $0x0  }
0x94: {  	[hbm4b:s9+s29] =	stream.linear.scatter [tilespmem:s18], [sflag:$0x5], $0x4000, $0x38;
	[tilespmem:$0x10280] =	vst v63  }
0x95: {  	_ =	swait.ge [sflag:s25], $0x4000  }
0x96: {  	[sflag:s25] =	ssyncset.done $0x0  }
0x97: {  	s30 =	simm.s32 $0x1000;
	s29 =	simm.s32 $0x0;
	[sflag:s25] =	ssyncadd.s32 $0xFFFFC000  }
.LBB2_8:
0x98: {  	p0 =	sne.s32 s30, $0xF000;
	[tilespmem:s29+$0xC590] =	vst v1  }
0x99: {  	[tilespmem:s29+$0xC200] =	vst v0  }
0x9a: {  	[tilespmem:s29+$0xC210] =	vst v1  }
0x9b: {  	[tilespmem:s29+$0xC280] =	vst v0  }
0x9c: {  	[tilespmem:s29+$0xC290] =	vst v1  }
0x9d: {  	[tilespmem:s29+$0xC300] =	vst v0  }
0x9e: {  	[tilespmem:s29+$0xC310] =	vst v1  }
0x9f: {  	[tilespmem:s29+$0xC380] =	vst v0  }
0xa0: {  	[tilespmem:s29+$0xC390] =	vst v1  }
0xa1: {  	[tilespmem:s29+$0xC400] =	vst v0  }
0xa2: {  	[tilespmem:s29+$0xC410] =	vst v1  }
.Ltmp3:
0xa3: {  	[tilespmem:s29+$0xC480] =	vst v0;
	(pc) =	sbr.rel @p0 .LBB2_8-.Ltmp3, $4  }
0xa4: {  	[tilespmem:s29+$0xC490] =	vst v1  }
0xa5: {  	[tilespmem:s29+$0xC500] =	vst v0  }
0xa6: {  	[tilespmem:s29+$0xC510] =	vst v1  }
0xa7: {  	[tilespmem:s29+$0xC580] =	vst v0;
	s29 =	sshra.s32 s30, $0x2;
	s30 =	sadd.s32 $0x1000, s30  }
0xa8: {  	[tilespmem:s29+$0xC590] =	vst v1  }
0xa9: {  	[tilespmem:s29+$0xC200] =	vst v0  }
0xaa: {  	[tilespmem:s29+$0xC210] =	vst v1  }
0xab: {  	[tilespmem:s29+$0xC280] =	vst v0  }
0xac: {  	[tilespmem:s29+$0xC290] =	vst v1  }
0xad: {  	[tilespmem:s29+$0xC300] =	vst v0  }
0xae: {  	[tilespmem:s29+$0xC310] =	vst v1  }
0xaf: {  	[tilespmem:s29+$0xC380] =	vst v0  }
0xb0: {  	[tilespmem:s29+$0xC390] =	vst v1  }
0xb1: {  	[tilespmem:s29+$0xC400] =	vst v0  }
0xb2: {  	[tilespmem:s29+$0xC410] =	vst v1  }
0xb3: {  	[tilespmem:s29+$0xC480] =	vst v0  }
0xb4: {  	[tilespmem:s29+$0xC490] =	vst v1  }
0xb5: {  	[tilespmem:s29+$0xC500] =	vst v0  }
0xb6: {  	[tilespmem:s29+$0xC510] =	vst v1  }
0xb7: {  	[tilespmem:s29+$0xC580] =	vst v0  }
0xb8: {  	[hbm4b:s10+s4] =	stream.linear.scatter [tilespmem:s22], [sflag:$0x5], $0x4000, $0x38;
	[tilespmem:$0x10280] =	vst v63  }
0xb9: {  	_ =	swait.ge [sflag:s26], $0x4000  }
0xba: {  	[sflag:s26] =	ssyncset.done $0x0  }
0xbb: {  	[sflag:s26] =	ssyncadd.s32 $0xFFFFC000  }
0xbc: {  	_ =	swait.ge [sflag:s26], $0x4000  }
0xbd: {  	[sflag:s26] =	ssyncset.done $0x0  }
0xbe: {  	s28 =	sadd.s32 $0x1, s28;
	[sflag:s26] =	ssyncadd.s32 $0xFFFFC000  }
0xbf: {  	p0 =	sne.s32 s28, s11;
	_ =	swait.ge [sflag:s26], $0x4000  }
.Ltmp4:
0xc0: {  	[sflag:s26] =	ssyncset.done $0x0;
	(pc) =	sbr.rel @p0 .LBB2_1-.Ltmp4, $4  }
0xc1: {  	[sflag:s26] =	ssyncadd.s32 $0xFFFFC000  }
0xc2: {  	_ =	swait.ge [sflag:s26], $0x4000  }
0xc3: {  	[sflag:s26] =	ssyncset.done $0x0  }
0xc4: {  	[sflag:s26] =	ssyncadd.s32 $0xFFFFC000  }
0xc5: {  	_ =	sfence.sel $0x180000  }
0xc6: {  	[bflag:$0x0] =	sbarrier.arrive $0xFFFF  }
0xc7: {  	p0 =	sne.s32 s3, $0x0;
	_ =	strace $0x90000047  }
0xc8: {  	s0 =	sadd.s32 @!p0 $0x100000, s0;
	[bflag:$0x2] =	sbarrier.arrive $0xFFFF  }
0xc9: {  	[sflag:s0] =	ssyncadd.tile.s32 @!p0 $0x1;
	_ =	shalt  }
.Lfunc_end2:
_tile_overlayer_lowered:
.L_overlay_start_2:
0xca: {  	(tag) =	ssettag $0x2  }
0xcb: {  	s0 =	rddreg [dreg:$0x0];
	s2 =	stileid.u32  }
0xcc: {  	s1 =	rddreg [dreg:$0x1];
	p0 =	sne.s32 s2, $0x0  }
0xcd: {  	s3 =	rddreg [dreg:$0x2];
	[bflag:$0x3] =	sbarrier.arrive $0xFFFF;
	s2 =	simm.s32 @!p0 $0x1C07  }
0xce: {  	[timem:s3], [sflag:s2] =	dma.local @!p0 [hbm:s0], s1  }
0xcf: {  	s0 =	simm.s32 @!p0 $0x7  }
0xd0: {  	_ =	swait.ge @!p0 [sflag:s0], s1  }
0xd1: {  	s1 =	ssub.s32 @!p0 $0x0, s1;
	[sflag:s0] =	ssyncset.done @!p0 $0x0  }
0xd2: {  	[sflag:s0] =	ssyncadd.s32 @!p0 s1  }
0xd3: {  	[bflag:$0x3] =	sbarrier.arrive $0xFFFF  }
0xd4: {  	_ =	shalt  }

</sc_bundles>
